<compile_context>
chip_gen: v7x
topology: tpu7x:2x2x1
jax: 0.10.2.dev20260603
libtpu: 0.0.44.dev20260713+nightly
codegen_flags: <defaults>
</compile_context>

<pallas_src>
import functools

import jax
import jax.numpy as jnp
from jax import lax
from jax.experimental import pallas as pl
from jax.experimental.pallas import tpu as pltpu
from jax.experimental.pallas import tpu_sc as plsc

K0 = 10
KT = 110

NQ = 1024
NK = 100000
CK = 2048
KPAD = 100352
QB = 256

NW = 32
ROWS_PW = NQ // NW
NL1 = KPAD // 128
NL2 = NL1 // 8
NL2P = 104
NL3 = NL2P // 8
OPAD = 112
NEG = -3.0e38


def _score_kernel(q_ref, k_ref, s_ref):
    j = pl.program_id(1)
    s = lax.dot_general(q_ref[...], k_ref[...], (((1,), (1,)), ((), ())),
                        preferred_element_type=jnp.float32)
    col = j * CK + lax.broadcasted_iota(jnp.int32, (QB, CK), 1)
    s_ref[...] = jnp.where(col < NK, s, jnp.float32(NEG))


def _iota():
    return lax.iota(jnp.int32, 16)


def _gather16(x, idx):
    dnums = lax.GatherDimensionNumbers(
        offset_dims=(), collapsed_slice_dims=(0,), start_index_map=(0,))
    return lax.gather(x, idx[:, None], dnums, (1,),
                      mode=lax.GatherScatterMode.PROMISE_IN_BOUNDS)


def _shuf(x, k):
    return _gather16(x, jnp.bitwise_xor(_iota(), k))


def _lane_max(x):
    for k in (8, 4, 2, 1):
        x = jnp.maximum(x, _shuf(x, k))
    return x[0]


def _lane_min(x):
    for k in (8, 4, 2, 1):
        x = jnp.minimum(x, _shuf(x, k))
    return x[0]


def _topk_kernel(scores, out_v, out_i, buf, l1, l2, l3, ov, oi):
    wid = lax.axis_index("s") * 2 + lax.axis_index("c")
    base_row = wid * ROWS_PW
    bigi = jnp.int32(2 ** 30)

    for i in range(NL2, NL2P):
        l2[pl.ds(i * 16, 16)] = jnp.full((16,), NEG, jnp.float32)

    def eq_search(ref, base, n, target):
        cand = jnp.full((16,), bigi, jnp.int32)
        for k in range(n):
            v = ref[pl.ds(base + k * 16, 16)]
            cand = jnp.minimum(cand,
                               jnp.where(v == target, k * 16 + _iota(), bigi))
        return _lane_min(cand)

    def max8(ref, base):
        m = ref[pl.ds(base, 16)]
        for k in range(1, 8):
            m = jnp.maximum(m, ref[pl.ds(base + k * 16, 16)])
        return m

    def row_body(r, carry):
        row = base_row + r
        pltpu.sync_copy(scores.at[row], buf)

        def b1(g, c):
            l1[pl.ds(g * 16, 16)] = max8(buf, g * 128)
            return c

        def b2(h, c):
            l2[pl.ds(h * 16, 16)] = max8(l1, h * 128)
            return c

        def b3(q, c):
            l3[pl.ds(q * 16, 16)] = max8(l2, q * 128)
            return c

        lax.fori_loop(0, NL1, b1, 0)
        lax.fori_loop(0, NL2, b2, 0)
        lax.fori_loop(0, NL3, b3, 0)

        def extract(e, c):
            bv = l3[pl.ds(0, 16)]
            for k in range(1, NL3):
                bv = jnp.maximum(bv, l3[pl.ds(k * 16, 16)])
            vstar = _lane_max(bv)

            f3 = eq_search(l3, 0, NL3, vstar)
            q = lax.shift_right_logical(f3, 4)
            f2 = q * 128 + eq_search(l2, q * 128, 8, vstar)
            h = lax.shift_right_logical(f2, 4)
            f1 = h * 128 + eq_search(l1, h * 128, 8, vstar)
            g = lax.shift_right_logical(f1, 4)
            pos = g * 128 + eq_search(buf, g * 128, 8, vstar)

            vb = pos & ~jnp.int32(15)
            lane = pos & 15
            x = buf[pl.ds(vb, 16)]
            buf[pl.ds(vb, 16)] = jnp.where(_iota() == lane,
                                           jnp.float32(NEG), x)
            l1[pl.ds(g * 16, 16)] = max8(buf, g * 128)
            l2[pl.ds(h * 16, 16)] = max8(l1, h * 128)
            l3[pl.ds(q * 16, 16)] = max8(l2, q * 128)

            ob = e & ~jnp.int32(15)
            olane = e & 15
            ovv = ov[pl.ds(ob, 16)]
            ov[pl.ds(ob, 16)] = jnp.where(_iota() == olane, vstar, ovv)
            oii = oi[pl.ds(ob, 16)]
            oi[pl.ds(ob, 16)] = jnp.where(_iota() == olane, pos, oii)
            return c

        lax.fori_loop(0, OPAD, extract, 0)
        pltpu.sync_copy(ov, out_v.at[row])
        pltpu.sync_copy(oi, out_i.at[row])
        return carry

    lax.fori_loop(0, ROWS_PW, row_body, 0)


@functools.cache
def _topk_call():
    return pl.kernel(
        _topk_kernel,
        out_type=(jax.ShapeDtypeStruct((NQ, OPAD), jnp.float32),
                  jax.ShapeDtypeStruct((NQ, OPAD), jnp.int32)),
        mesh=plsc.VectorSubcoreMesh(core_axis_name="c",
                                    subcore_axis_name="s", num_cores=2),
        scratch_types=[
            pltpu.VMEM((KPAD,), jnp.float32),
            pltpu.VMEM((NL1 * 16,), jnp.float32),
            pltpu.VMEM((NL2P * 16,), jnp.float32),
            pltpu.VMEM((NL3 * 16,), jnp.float32),
            pltpu.VMEM((OPAD,), jnp.float32),
            pltpu.VMEM((OPAD,), jnp.int32),
        ],
    )


def kernel(queries, keys):
    nq, d = queries.shape
    nk, _ = keys.shape
    keys_p = jnp.pad(keys, ((0, KPAD - nk), (0, 0)))
    grid = (nq // QB, KPAD // CK)
    scores = pl.pallas_call(
        _score_kernel,
        grid=grid,
        in_specs=[
            pl.BlockSpec((QB, d), lambda i, j: (i, 0)),
            pl.BlockSpec((CK, d), lambda i, j: (j, 0)),
        ],
        out_specs=pl.BlockSpec((QB, CK), lambda i, j: (i, j)),
        out_shape=jax.ShapeDtypeStruct((nq, KPAD), jnp.float32),
    )(queries, keys_p)
    vals, idx = _topk_call()(scores)
    return vals[:, K0:KT], idx[:, K0:KT]

# --- scband reference (transcript-rebuilt; emitter-appended) ---
"""Pipeline reference for scband-prob-graph-75892072120405 (READ-ONLY COPY).

The authoritative reference and input builder live on the scoring server;
editing this copy changes nothing except your own understanding.
"""

import jax, jax.numpy as jnp
import numpy as np

K0 = 10
KT = 110

def setup_inputs(seed: int = 0) -> dict:
    key = jax.random.key(seed)
    k1, k2 = jax.random.split(key)
    queries = jax.random.normal(k1, (1024, 16), dtype=jnp.float32)
    keys = jax.random.normal(k2, (100000, 16), dtype=jnp.float32)
    return {"queries": queries, "keys": keys}

def reference(queries, keys):
    # topk_ct: inner-product similarity between query vectors and all item vectors,
    # retrieve top-kt nearest items and keep ranks [k0:kt] as hard negatives.
    scores = queries @ keys.T  # [Q, K]
    vals, idx = jax.lax.top_k(scores, KT)
    hard_neg_vals = vals[:, K0:KT]
    hard_neg_idx = idx[:, K0:KT]
    return hard_neg_vals, hard_neg_idx

if __name__ == "__main__":
    import jax
    _d = setup_inputs()
    print(jax.jit(kernel)(*tuple(_d.values())))

</pallas_src>

<mosaic_0001>
#map = affine_map<(d0, d1) -> (0, 0)>
module attributes {stable_mosaic.version = 14 : i64} {
  func.func @_topk_kernel(%arg0: i32, %arg1: i32, %arg2: memref<1024x100352xf32, #tpu.memory_space<hbm>>, %arg3: memref<1024x112xf32, #tpu.memory_space<hbm>>, %arg4: memref<1024x112xi32, #tpu.memory_space<hbm>>, %arg5: memref<100352xf32, #tpu.memory_space<vmem>>, %arg6: memref<12544xf32, #tpu.memory_space<vmem>>, %arg7: memref<1664xf32, #tpu.memory_space<vmem>>, %arg8: memref<208xf32, #tpu.memory_space<vmem>>, %arg9: memref<112xf32, #tpu.memory_space<vmem>>, %arg10: memref<112xi32, #tpu.memory_space<vmem>>) attributes {dimension_semantics = [#tpu.dimension_semantics<core_parallel>, #tpu.dimension_semantics<subcore_parallel>], iteration_bounds = array<i64: 2, 16>, scalar_prefetch = 0 : i64, scratch_operands = 6 : i64, tpu.core_type = #tpu.core_type<sc_vector_subcore>, window_params = [{transform_indices = #map}, {transform_indices = #map}, {transform_indices = #map}]} {
    %mul3A = arith.constant 2 : i32
    %mul3A_0 = arith.muli %arg1, %mul3A : i32
    %add3A = arith.addi %mul3A_0, %arg0 : i32
    %mul3A_1 = arith.constant 32 : i32
    %mul3A_2 = arith.muli %add3A, %mul3A_1 : i32
    %broadcast_in_dim3A = arith.constant -3.000000e+38 : f32
    %broadcast_in_dim3A_3 = vector.broadcast %broadcast_in_dim3A : f32 to vector<16xf32>
    %swap3A = arith.constant 1568 : index
    %swap3A_4 = tpu.vector_load %arg7[%swap3A] {strides = array<i32>} : memref<1664xf32, #tpu.memory_space<vmem>>, vector<16xf32>,
    %swap3A_5 = vector.shape_cast %swap3A_4 : vector<16xf32> to vector<16xf32>
    %swap3A_6 = vector.shape_cast %broadcast_in_dim3A_3 : vector<16xf32> to vector<16xf32>
    tpu.vector_store %arg7[%swap3A], %swap3A_6 {strides = array<i32>} : memref<1664xf32, #tpu.memory_space<vmem>>, vector<16xf32>,
    %broadcast_in_dim3A_7 = arith.constant -3.000000e+38 : f32
    %broadcast_in_dim3A_8 = vector.broadcast %broadcast_in_dim3A_7 : f32 to vector<16xf32>
    %swap3A_9 = arith.constant 1584 : index
    %swap3A_10 = tpu.vector_load %arg7[%swap3A_9] {strides = array<i32>} : memref<1664xf32, #tpu.memory_space<vmem>>, vector<16xf32>,
    %swap3A_11 = vector.shape_cast %swap3A_10 : vector<16xf32> to vector<16xf32>
    %swap3A_12 = vector.shape_cast %broadcast_in_dim3A_8 : vector<16xf32> to vector<16xf32>
    tpu.vector_store %arg7[%swap3A_9], %swap3A_12 {strides = array<i32>} : memref<1664xf32, #tpu.memory_space<vmem>>, vector<16xf32>,
    %broadcast_in_dim3A_13 = arith.constant -3.000000e+38 : f32
    %broadcast_in_dim3A_14 = vector.broadcast %broadcast_in_dim3A_13 : f32 to vector<16xf32>
    %swap3A_15 = arith.constant 1600 : index
    %swap3A_16 = tpu.vector_load %arg7[%swap3A_15] {strides = array<i32>} : memref<1664xf32, #tpu.memory_space<vmem>>, vector<16xf32>,
    %swap3A_17 = vector.shape_cast %swap3A_16 : vector<16xf32> to vector<16xf32>
    %swap3A_18 = vector.shape_cast %broadcast_in_dim3A_14 : vector<16xf32> to vector<16xf32>
    tpu.vector_store %arg7[%swap3A_15], %swap3A_18 {strides = array<i32>} : memref<1664xf32, #tpu.memory_space<vmem>>, vector<16xf32>,
    %broadcast_in_dim3A_19 = arith.constant -3.000000e+38 : f32
    %broadcast_in_dim3A_20 = vector.broadcast %broadcast_in_dim3A_19 : f32 to vector<16xf32>
    %swap3A_21 = arith.constant 1616 : index
    %swap3A_22 = tpu.vector_load %arg7[%swap3A_21] {strides = array<i32>} : memref<1664xf32, #tpu.memory_space<vmem>>, vector<16xf32>,
    %swap3A_23 = vector.shape_cast %swap3A_22 : vector<16xf32> to vector<16xf32>
    %swap3A_24 = vector.shape_cast %broadcast_in_dim3A_20 : vector<16xf32> to vector<16xf32>
    tpu.vector_store %arg7[%swap3A_21], %swap3A_24 {strides = array<i32>} : memref<1664xf32, #tpu.memory_space<vmem>>, vector<16xf32>,
    %broadcast_in_dim3A_25 = arith.constant -3.000000e+38 : f32
    %broadcast_in_dim3A_26 = vector.broadcast %broadcast_in_dim3A_25 : f32 to vector<16xf32>
    %swap3A_27 = arith.constant 1632 : index
    %swap3A_28 = tpu.vector_load %arg7[%swap3A_27] {strides = array<i32>} : memref<1664xf32, #tpu.memory_space<vmem>>, vector<16xf32>,
    %swap3A_29 = vector.shape_cast %swap3A_28 : vector<16xf32> to vector<16xf32>
    %swap3A_30 = vector.shape_cast %broadcast_in_dim3A_26 : vector<16xf32> to vector<16xf32>
    tpu.vector_store %arg7[%swap3A_27], %swap3A_30 {strides = array<i32>} : memref<1664xf32, #tpu.memory_space<vmem>>, vector<16xf32>,
    %broadcast_in_dim3A_31 = arith.constant -3.000000e+38 : f32
    %broadcast_in_dim3A_32 = vector.broadcast %broadcast_in_dim3A_31 : f32 to vector<16xf32>
    %swap3A_33 = arith.constant 1648 : index
    %swap3A_34 = tpu.vector_load %arg7[%swap3A_33] {strides = array<i32>} : memref<1664xf32, #tpu.memory_space<vmem>>, vector<16xf32>,
    %swap3A_35 = vector.shape_cast %swap3A_34 : vector<16xf32> to vector<16xf32>
    %swap3A_36 = vector.shape_cast %broadcast_in_dim3A_32 : vector<16xf32> to vector<16xf32>
    tpu.vector_store %arg7[%swap3A_33], %swap3A_36 {strides = array<i32>} : memref<1664xf32, #tpu.memory_space<vmem>>, vector<16xf32>,
    %scan3A = arith.constant 0 : i32
    %scan3A_37 = arith.constant 1073741824 : i32
    %scan3A_38 = arith.constant 0 : i32
    %scan3A_39 = arith.constant 32 : i32
    %scan3A_40 = arith.addi %scan3A_38, %scan3A_39 : i32
    %scan3A_41 = arith.constant 1 : i32
    scf.for %scan3A_43 = %scan3A_38 to %scan3A_40 step %scan3A_41  : i32 {
      %add3A_44 = arith.addi %mul3A_2, %scan3A_43 : i32
      "tpu.region"() ({
        %run_scoped3A = tpu.sem_alloc : memref<!tpu.dma_semaphore, #tpu.memory_space<semaphore_mem>>
        %dma_start3A = arith.constant 0 : i32
        %dma_start3A_69 = tpu.memref_slice %arg2[%add3A_44, %dma_start3A] : memref<1024x100352xf32, #tpu.memory_space<hbm>> -> memref<1x100352xf32, #tpu.memory_space<hbm>>
        %dma_start3A_70 = tpu.memref_squeeze %dma_start3A_69 : memref<1x100352xf32, #tpu.memory_space<hbm>> -> memref<100352xf32, #tpu.memory_space<hbm>>
        %dma_start3A_71 = arith.constant 0 : i32
        %dma_start3A_72 = tpu.memref_slice %arg2[%add3A_44, %dma_start3A_71] : memref<1024x100352xf32, #tpu.memory_space<hbm>> -> memref<1x100352xf32, #tpu.memory_space<hbm>>
        %dma_start3A_73 = tpu.memref_squeeze %dma_start3A_72 : memref<1x100352xf32, #tpu.memory_space<hbm>> -> memref<100352xf32, #tpu.memory_space<hbm>>
        tpu.enqueue_dma source(%dma_start3A_73 : memref<100352xf32, #tpu.memory_space<hbm>>) target(%arg5 : memref<100352xf32, #tpu.memory_space<vmem>>) target_semaphore(%run_scoped3A : memref<!tpu.dma_semaphore, #tpu.memory_space<semaphore_mem>>)
        %dma_wait3A = arith.constant 0 : i32
        %dma_wait3A_74 = tpu.memref_slice %arg2[%add3A_44, %dma_wait3A] : memref<1024x100352xf32, #tpu.memory_space<hbm>> -> memref<1x100352xf32, #tpu.memory_space<hbm>>
        %dma_wait3A_75 = tpu.memref_squeeze %dma_wait3A_74 : memref<1x100352xf32, #tpu.memory_space<hbm>> -> memref<100352xf32, #tpu.memory_space<hbm>>
        %dma_wait3A_76 = arith.constant 0 : i32
        %dma_wait3A_77 = tpu.memref_slice %arg2[%add3A_44, %dma_wait3A_76] : memref<1024x100352xf32, #tpu.memory_space<hbm>> -> memref<1x100352xf32, #tpu.memory_space<hbm>>
        %dma_wait3A_78 = tpu.memref_squeeze %dma_wait3A_77 : memref<1x100352xf32, #tpu.memory_space<hbm>> -> memref<100352xf32, #tpu.memory_space<hbm>>
        tpu.wait_dma2 semaphore(%run_scoped3A : memref<!tpu.dma_semaphore, #tpu.memory_space<semaphore_mem>>) src(%dma_wait3A_78 : memref<100352xf32, #tpu.memory_space<hbm>>) dst(%arg5 : memref<100352xf32, #tpu.memory_space<vmem>>)
        tpu.yield
      }) : () -> ()
      %scan3A_45 = arith.constant 0 : i32
      %scan3A_46 = arith.constant 0 : i32
      %scan3A_47 = arith.constant 784 : i32
      %scan3A_48 = arith.addi %scan3A_46, %scan3A_47 : i32
      %scan3A_49 = arith.constant 1 : i32
      scf.for %scan3A_69 = %scan3A_46 to %scan3A_48 step %scan3A_49  : i32 {
        %mul3A_70 = arith.constant 128 : i32
        %mul3A_71 = arith.muli %scan3A_69, %mul3A_70 : i32
        %get3A = arith.index_cast %mul3A_71 : i32 to index
        %get3A_72 = tpu.vector_load %arg5[%get3A] {strides = array<i32>} : memref<100352xf32, #tpu.memory_space<vmem>>, vector<16xf32>,
        %get3A_73 = vector.shape_cast %get3A_72 : vector<16xf32> to vector<16xf32>
        %add3A_74 = arith.constant 16 : i32
        %add3A_75 = arith.addi %mul3A_71, %add3A_74 : i32
        %get3A_76 = arith.index_cast %add3A_75 : i32 to index
        %get3A_77 = tpu.vector_load %arg5[%get3A_76] {strides = array<i32>} : memref<100352xf32, #tpu.memory_space<vmem>>, vector<16xf32>,
        %get3A_78 = vector.shape_cast %get3A_77 : vector<16xf32> to vector<16xf32>
        %max3A = arith.maximumf %get3A_73, %get3A_78 : vector<16xf32>
        %add3A_79 = arith.constant 32 : i32
        %add3A_80 = arith.addi %mul3A_71, %add3A_79 : i32
        %get3A_81 = arith.index_cast %add3A_80 : i32 to index
        %get3A_82 = tpu.vector_load %arg5[%get3A_81] {strides = array<i32>} : memref<100352xf32, #tpu.memory_space<vmem>>, vector<16xf32>,
        %get3A_83 = vector.shape_cast %get3A_82 : vector<16xf32> to vector<16xf32>
        %max3A_84 = arith.maximumf %max3A, %get3A_83 : vector<16xf32>
        %add3A_85 = arith.constant 48 : i32
        %add3A_86 = arith.addi %mul3A_71, %add3A_85 : i32
        %get3A_87 = arith.index_cast %add3A_86 : i32 to index
        %get3A_88 = tpu.vector_load %arg5[%get3A_87] {strides = array<i32>} : memref<100352xf32, #tpu.memory_space<vmem>>, vector<16xf32>,
        %get3A_89 = vector.shape_cast %get3A_88 : vector<16xf32> to vector<16xf32>
        %max3A_90 = arith.maximumf %max3A_84, %get3A_89 : vector<16xf32>
        %add3A_91 = arith.constant 64 : i32
        %add3A_92 = arith.addi %mul3A_71, %add3A_91 : i32
        %get3A_93 = arith.index_cast %add3A_92 : i32 to index
        %get3A_94 = tpu.vector_load %arg5[%get3A_93] {strides = array<i32>} : memref<100352xf32, #tpu.memory_space<vmem>>, vector<16xf32>,
        %get3A_95 = vector.shape_cast %get3A_94 : vector<16xf32> to vector<16xf32>
        %max3A_96 = arith.maximumf %max3A_90, %get3A_95 : vector<16xf32>
        %add3A_97 = arith.constant 80 : i32
        %add3A_98 = arith.addi %mul3A_71, %add3A_97 : i32
        %get3A_99 = arith.index_cast %add3A_98 : i32 to index
        %get3A_100 = tpu.vector_load %arg5[%get3A_99] {strides = array<i32>} : memref<100352xf32, #tpu.memory_space<vmem>>, vector<16xf32>,
        %get3A_101 = vector.shape_cast %get3A_100 : vector<16xf32> to vector<16xf32>
        %max3A_102 = arith.maximumf %max3A_96, %get3A_101 : vector<16xf32>
        %add3A_103 = arith.constant 96 : i32
        %add3A_104 = arith.addi %mul3A_71, %add3A_103 : i32
        %get3A_105 = arith.index_cast %add3A_104 : i32 to index
        %get3A_106 = tpu.vector_load %arg5[%get3A_105] {strides = array<i32>} : memref<100352xf32, #tpu.memory_space<vmem>>, vector<16xf32>,
        %get3A_107 = vector.shape_cast %get3A_106 : vector<16xf32> to vector<16xf32>
        %max3A_108 = arith.maximumf %max3A_102, %get3A_107 : vector<16xf32>
        %add3A_109 = arith.constant 112 : i32
        %add3A_110 = arith.addi %mul3A_71, %add3A_109 : i32
        %get3A_111 = arith.index_cast %add3A_110 : i32 to index
        %get3A_112 = tpu.vector_load %arg5[%get3A_111] {strides = array<i32>} : memref<100352xf32, #tpu.memory_space<vmem>>, vector<16xf32>,
        %get3A_113 = vector.shape_cast %get3A_112 : vector<16xf32> to vector<16xf32>
        %max3A_114 = arith.maximumf %max3A_108, %get3A_113 : vector<16xf32>
        %mul3A_115 = arith.constant 16 : i32
        %mul3A_116 = arith.muli %scan3A_69, %mul3A_115 : i32
        %swap3A_117 = arith.index_cast %mul3A_116 : i32 to index
        %swap3A_118 = tpu.vector_load %arg6[%swap3A_117] {strides = array<i32>} : memref<12544xf32, #tpu.memory_space<vmem>>, vector<16xf32>,
        %swap3A_119 = vector.shape_cast %swap3A_118 : vector<16xf32> to vector<16xf32>
        %swap3A_120 = vector.shape_cast %max3A_114 : vector<16xf32> to vector<16xf32>
        tpu.vector_store %arg6[%swap3A_117], %swap3A_120 {strides = array<i32>} : memref<12544xf32, #tpu.memory_space<vmem>>, vector<16xf32>,
      }
      %scan3A_50 = arith.constant 784 : i32
      %scan3A_51 = arith.constant 0 : i32
      %scan3A_52 = arith.constant 0 : i32
      %scan3A_53 = arith.constant 98 : i32
      %scan3A_54 = arith.addi %scan3A_52, %scan3A_53 : i32
      %scan3A_55 = arith.constant 1 : i32
      scf.for %scan3A_69 = %scan3A_52 to %scan3A_54 step %scan3A_55  : i32 {
        %mul3A_70 = arith.constant 128 : i32
        %mul3A_71 = arith.muli %scan3A_69, %mul3A_70 : i32
        %get3A = arith.index_cast %mul3A_71 : i32 to index
        %get3A_72 = tpu.vector_load %arg6[%get3A] {strides = array<i32>} : memref<12544xf32, #tpu.memory_space<vmem>>, vector<16xf32>,
        %get3A_73 = vector.shape_cast %get3A_72 : vector<16xf32> to vector<16xf32>
        %add3A_74 = arith.constant 16 : i32
        %add3A_75 = arith.addi %mul3A_71, %add3A_74 : i32
        %get3A_76 = arith.index_cast %add3A_75 : i32 to index
        %get3A_77 = tpu.vector_load %arg6[%get3A_76] {strides = array<i32>} : memref<12544xf32, #tpu.memory_space<vmem>>, vector<16xf32>,
        %get3A_78 = vector.shape_cast %get3A_77 : vector<16xf32> to vector<16xf32>
        %max3A = arith.maximumf %get3A_73, %get3A_78 : vector<16xf32>
        %add3A_79 = arith.constant 32 : i32
        %add3A_80 = arith.addi %mul3A_71, %add3A_79 : i32
        %get3A_81 = arith.index_cast %add3A_80 : i32 to index
        %get3A_82 = tpu.vector_load %arg6[%get3A_81] {strides = array<i32>} : memref<12544xf32, #tpu.memory_space<vmem>>, vector<16xf32>,
        %get3A_83 = vector.shape_cast %get3A_82 : vector<16xf32> to vector<16xf32>
        %max3A_84 = arith.maximumf %max3A, %get3A_83 : vector<16xf32>
        %add3A_85 = arith.constant 48 : i32
        %add3A_86 = arith.addi %mul3A_71, %add3A_85 : i32
        %get3A_87 = arith.index_cast %add3A_86 : i32 to index
        %get3A_88 = tpu.vector_load %arg6[%get3A_87] {strides = array<i32>} : memref<12544xf32, #tpu.memory_space<vmem>>, vector<16xf32>,
        %get3A_89 = vector.shape_cast %get3A_88 : vector<16xf32> to vector<16xf32>
        %max3A_90 = arith.maximumf %max3A_84, %get3A_89 : vector<16xf32>
        %add3A_91 = arith.constant 64 : i32
        %add3A_92 = arith.addi %mul3A_71, %add3A_91 : i32
        %get3A_93 = arith.index_cast %add3A_92 : i32 to index
        %get3A_94 = tpu.vector_load %arg6[%get3A_93] {strides = array<i32>} : memref<12544xf32, #tpu.memory_space<vmem>>, vector<16xf32>,
        %get3A_95 = vector.shape_cast %get3A_94 : vector<16xf32> to vector<16xf32>
        %max3A_96 = arith.maximumf %max3A_90, %get3A_95 : vector<16xf32>
        %add3A_97 = arith.constant 80 : i32
        %add3A_98 = arith.addi %mul3A_71, %add3A_97 : i32
        %get3A_99 = arith.index_cast %add3A_98 : i32 to index
        %get3A_100 = tpu.vector_load %arg6[%get3A_99] {strides = array<i32>} : memref<12544xf32, #tpu.memory_space<vmem>>, vector<16xf32>,
        %get3A_101 = vector.shape_cast %get3A_100 : vector<16xf32> to vector<16xf32>
        %max3A_102 = arith.maximumf %max3A_96, %get3A_101 : vector<16xf32>
        %add3A_103 = arith.constant 96 : i32
        %add3A_104 = arith.addi %mul3A_71, %add3A_103 : i32
        %get3A_105 = arith.index_cast %add3A_104 : i32 to index
        %get3A_106 = tpu.vector_load %arg6[%get3A_105] {strides = array<i32>} : memref<12544xf32, #tpu.memory_space<vmem>>, vector<16xf32>,
        %get3A_107 = vector.shape_cast %get3A_106 : vector<16xf32> to vector<16xf32>
        %max3A_108 = arith.maximumf %max3A_102, %get3A_107 : vector<16xf32>
        %add3A_109 = arith.constant 112 : i32
        %add3A_110 = arith.addi %mul3A_71, %add3A_109 : i32
        %get3A_111 = arith.index_cast %add3A_110 : i32 to index
        %get3A_112 = tpu.vector_load %arg6[%get3A_111] {strides = array<i32>} : memref<12544xf32, #tpu.memory_space<vmem>>, vector<16xf32>,
        %get3A_113 = vector.shape_cast %get3A_112 : vector<16xf32> to vector<16xf32>
        %max3A_114 = arith.maximumf %max3A_108, %get3A_113 : vector<16xf32>
        %mul3A_115 = arith.constant 16 : i32
        %mul3A_116 = arith.muli %scan3A_69, %mul3A_115 : i32
        %swap3A_117 = arith.index_cast %mul3A_116 : i32 to index
        %swap3A_118 = tpu.vector_load %arg7[%swap3A_117] {strides = array<i32>} : memref<1664xf32, #tpu.memory_space<vmem>>, vector<16xf32>,
        %swap3A_119 = vector.shape_cast %swap3A_118 : vector<16xf32> to vector<16xf32>
        %swap3A_120 = vector.shape_cast %max3A_114 : vector<16xf32> to vector<16xf32>
        tpu.vector_store %arg7[%swap3A_117], %swap3A_120 {strides = array<i32>} : memref<1664xf32, #tpu.memory_space<vmem>>, vector<16xf32>,
      }
      %scan3A_56 = arith.constant 98 : i32
      %scan3A_57 = arith.constant 0 : i32
      %scan3A_58 = arith.constant 0 : i32
      %scan3A_59 = arith.constant 13 : i32
      %scan3A_60 = arith.addi %scan3A_58, %scan3A_59 : i32
      %scan3A_61 = arith.constant 1 : i32
      scf.for %scan3A_69 = %scan3A_58 to %scan3A_60 step %scan3A_61  : i32 {
        %mul3A_70 = arith.constant 128 : i32
        %mul3A_71 = arith.muli %scan3A_69, %mul3A_70 : i32
        %get3A = arith.index_cast %mul3A_71 : i32 to index
        %get3A_72 = tpu.vector_load %arg7[%get3A] {strides = array<i32>} : memref<1664xf32, #tpu.memory_space<vmem>>, vector<16xf32>,
        %get3A_73 = vector.shape_cast %get3A_72 : vector<16xf32> to vector<16xf32>
        %add3A_74 = arith.constant 16 : i32
        %add3A_75 = arith.addi %mul3A_71, %add3A_74 : i32
        %get3A_76 = arith.index_cast %add3A_75 : i32 to index
        %get3A_77 = tpu.vector_load %arg7[%get3A_76] {strides = array<i32>} : memref<1664xf32, #tpu.memory_space<vmem>>, vector<16xf32>,
        %get3A_78 = vector.shape_cast %get3A_77 : vector<16xf32> to vector<16xf32>
        %max3A = arith.maximumf %get3A_73, %get3A_78 : vector<16xf32>
        %add3A_79 = arith.constant 32 : i32
        %add3A_80 = arith.addi %mul3A_71, %add3A_79 : i32
        %get3A_81 = arith.index_cast %add3A_80 : i32 to index
        %get3A_82 = tpu.vector_load %arg7[%get3A_81] {strides = array<i32>} : memref<1664xf32, #tpu.memory_space<vmem>>, vector<16xf32>,
        %get3A_83 = vector.shape_cast %get3A_82 : vector<16xf32> to vector<16xf32>
        %max3A_84 = arith.maximumf %max3A, %get3A_83 : vector<16xf32>
        %add3A_85 = arith.constant 48 : i32
        %add3A_86 = arith.addi %mul3A_71, %add3A_85 : i32
        %get3A_87 = arith.index_cast %add3A_86 : i32 to index
        %get3A_88 = tpu.vector_load %arg7[%get3A_87] {strides = array<i32>} : memref<1664xf32, #tpu.memory_space<vmem>>, vector<16xf32>,
        %get3A_89 = vector.shape_cast %get3A_88 : vector<16xf32> to vector<16xf32>
        %max3A_90 = arith.maximumf %max3A_84, %get3A_89 : vector<16xf32>
        %add3A_91 = arith.constant 64 : i32
        %add3A_92 = arith.addi %mul3A_71, %add3A_91 : i32
        %get3A_93 = arith.index_cast %add3A_92 : i32 to index
        %get3A_94 = tpu.vector_load %arg7[%get3A_93] {strides = array<i32>} : memref<1664xf32, #tpu.memory_space<vmem>>, vector<16xf32>,
        %get3A_95 = vector.shape_cast %get3A_94 : vector<16xf32> to vector<16xf32>
        %max3A_96 = arith.maximumf %max3A_90, %get3A_95 : vector<16xf32>
        %add3A_97 = arith.constant 80 : i32
        %add3A_98 = arith.addi %mul3A_71, %add3A_97 : i32
        %get3A_99 = arith.index_cast %add3A_98 : i32 to index
        %get3A_100 = tpu.vector_load %arg7[%get3A_99] {strides = array<i32>} : memref<1664xf32, #tpu.memory_space<vmem>>, vector<16xf32>,
        %get3A_101 = vector.shape_cast %get3A_100 : vector<16xf32> to vector<16xf32>
        %max3A_102 = arith.maximumf %max3A_96, %get3A_101 : vector<16xf32>
        %add3A_103 = arith.constant 96 : i32
        %add3A_104 = arith.addi %mul3A_71, %add3A_103 : i32
        %get3A_105 = arith.index_cast %add3A_104 : i32 to index
        %get3A_106 = tpu.vector_load %arg7[%get3A_105] {strides = array<i32>} : memref<1664xf32, #tpu.memory_space<vmem>>, vector<16xf32>,
        %get3A_107 = vector.shape_cast %get3A_106 : vector<16xf32> to vector<16xf32>
        %max3A_108 = arith.maximumf %max3A_102, %get3A_107 : vector<16xf32>
        %add3A_109 = arith.constant 112 : i32
        %add3A_110 = arith.addi %mul3A_71, %add3A_109 : i32
        %get3A_111 = arith.index_cast %add3A_110 : i32 to index
        %get3A_112 = tpu.vector_load %arg7[%get3A_111] {strides = array<i32>} : memref<1664xf32, #tpu.memory_space<vmem>>, vector<16xf32>,
        %get3A_113 = vector.shape_cast %get3A_112 : vector<16xf32> to vector<16xf32>
        %max3A_114 = arith.maximumf %max3A_108, %get3A_113 : vector<16xf32>
        %mul3A_115 = arith.constant 16 : i32
        %mul3A_116 = arith.muli %scan3A_69, %mul3A_115 : i32
        %swap3A_117 = arith.index_cast %mul3A_116 : i32 to index
        %swap3A_118 = tpu.vector_load %arg8[%swap3A_117] {strides = array<i32>} : memref<208xf32, #tpu.memory_space<vmem>>, vector<16xf32>,
        %swap3A_119 = vector.shape_cast %swap3A_118 : vector<16xf32> to vector<16xf32>
        %swap3A_120 = vector.shape_cast %max3A_114 : vector<16xf32> to vector<16xf32>
        tpu.vector_store %arg8[%swap3A_117], %swap3A_120 {strides = array<i32>} : memref<208xf32, #tpu.memory_space<vmem>>, vector<16xf32>,
      }
      %scan3A_62 = arith.constant 13 : i32
      %scan3A_63 = arith.constant 0 : i32
      %scan3A_64 = arith.constant 0 : i32
      %scan3A_65 = arith.constant 112 : i32
      %scan3A_66 = arith.addi %scan3A_64, %scan3A_65 : i32
      %scan3A_67 = arith.constant 1 : i32
      scf.for %scan3A_69 = %scan3A_64 to %scan3A_66 step %scan3A_67  : i32 {
        %get3A = arith.constant 0 : index
        %get3A_70 = tpu.vector_load %arg8[%get3A] {strides = array<i32>} : memref<208xf32, #tpu.memory_space<vmem>>, vector<16xf32>,
        %get3A_71 = vector.shape_cast %get3A_70 : vector<16xf32> to vector<16xf32>
        %get3A_72 = arith.constant 16 : index
        %get3A_73 = tpu.vector_load %arg8[%get3A_72] {strides = array<i32>} : memref<208xf32, #tpu.memory_space<vmem>>, vector<16xf32>,
        %get3A_74 = vector.shape_cast %get3A_73 : vector<16xf32> to vector<16xf32>
        %max3A = arith.maximumf %get3A_71, %get3A_74 : vector<16xf32>
        %get3A_75 = arith.constant 32 : index
        %get3A_76 = tpu.vector_load %arg8[%get3A_75] {strides = array<i32>} : memref<208xf32, #tpu.memory_space<vmem>>, vector<16xf32>,
        %get3A_77 = vector.shape_cast %get3A_76 : vector<16xf32> to vector<16xf32>
        %max3A_78 = arith.maximumf %max3A, %get3A_77 : vector<16xf32>
        %get3A_79 = arith.constant 48 : index
        %get3A_80 = tpu.vector_load %arg8[%get3A_79] {strides = array<i32>} : memref<208xf32, #tpu.memory_space<vmem>>, vector<16xf32>,
        %get3A_81 = vector.shape_cast %get3A_80 : vector<16xf32> to vector<16xf32>
        %max3A_82 = arith.maximumf %max3A_78, %get3A_81 : vector<16xf32>
        %get3A_83 = arith.constant 64 : index
        %get3A_84 = tpu.vector_load %arg8[%get3A_83] {strides = array<i32>} : memref<208xf32, #tpu.memory_space<vmem>>, vector<16xf32>,
        %get3A_85 = vector.shape_cast %get3A_84 : vector<16xf32> to vector<16xf32>
        %max3A_86 = arith.maximumf %max3A_82, %get3A_85 : vector<16xf32>
        %get3A_87 = arith.constant 80 : index
        %get3A_88 = tpu.vector_load %arg8[%get3A_87] {strides = array<i32>} : memref<208xf32, #tpu.memory_space<vmem>>, vector<16xf32>,
        %get3A_89 = vector.shape_cast %get3A_88 : vector<16xf32> to vector<16xf32>
        %max3A_90 = arith.maximumf %max3A_86, %get3A_89 : vector<16xf32>
        %get3A_91 = arith.constant 96 : index
        %get3A_92 = tpu.vector_load %arg8[%get3A_91] {strides = array<i32>} : memref<208xf32, #tpu.memory_space<vmem>>, vector<16xf32>,
        %get3A_93 = vector.shape_cast %get3A_92 : vector<16xf32> to vector<16xf32>
        %max3A_94 = arith.maximumf %max3A_90, %get3A_93 : vector<16xf32>
        %get3A_95 = arith.constant 112 : index
        %get3A_96 = tpu.vector_load %arg8[%get3A_95] {strides = array<i32>} : memref<208xf32, #tpu.memory_space<vmem>>, vector<16xf32>,
        %get3A_97 = vector.shape_cast %get3A_96 : vector<16xf32> to vector<16xf32>
        %max3A_98 = arith.maximumf %max3A_94, %get3A_97 : vector<16xf32>
        %get3A_99 = arith.constant 128 : index
        %get3A_100 = tpu.vector_load %arg8[%get3A_99] {strides = array<i32>} : memref<208xf32, #tpu.memory_space<vmem>>, vector<16xf32>,
        %get3A_101 = vector.shape_cast %get3A_100 : vector<16xf32> to vector<16xf32>
        %max3A_102 = arith.maximumf %max3A_98, %get3A_101 : vector<16xf32>
        %get3A_103 = arith.constant 144 : index
        %get3A_104 = tpu.vector_load %arg8[%get3A_103] {strides = array<i32>} : memref<208xf32, #tpu.memory_space<vmem>>, vector<16xf32>,
        %get3A_105 = vector.shape_cast %get3A_104 : vector<16xf32> to vector<16xf32>
        %max3A_106 = arith.maximumf %max3A_102, %get3A_105 : vector<16xf32>
        %get3A_107 = arith.constant 160 : index
        %get3A_108 = tpu.vector_load %arg8[%get3A_107] {strides = array<i32>} : memref<208xf32, #tpu.memory_space<vmem>>, vector<16xf32>,
        %get3A_109 = vector.shape_cast %get3A_108 : vector<16xf32> to vector<16xf32>
        %max3A_110 = arith.maximumf %max3A_106, %get3A_109 : vector<16xf32>
        %get3A_111 = arith.constant 176 : index
        %get3A_112 = tpu.vector_load %arg8[%get3A_111] {strides = array<i32>} : memref<208xf32, #tpu.memory_space<vmem>>, vector<16xf32>,
        %get3A_113 = vector.shape_cast %get3A_112 : vector<16xf32> to vector<16xf32>
        %max3A_114 = arith.maximumf %max3A_110, %get3A_113 : vector<16xf32>
        %get3A_115 = arith.constant 192 : index
        %get3A_116 = tpu.vector_load %arg8[%get3A_115] {strides = array<i32>} : memref<208xf32, #tpu.memory_space<vmem>>, vector<16xf32>,
        %get3A_117 = vector.shape_cast %get3A_116 : vector<16xf32> to vector<16xf32>
        %max3A_118 = arith.maximumf %max3A_114, %get3A_117 : vector<16xf32>
        %iota3A = tpu.iota {dimensions = array<i32: 0>} : vector<16xi32>
        %xor3A = arith.constant 8 : i32
        %xor3A_119 = vector.broadcast %xor3A : i32 to vector<16xi32>
        %xor3A_120 = arith.xori %iota3A, %xor3A_119 : vector<16xi32>
        %broadcast_in_dim3A_121 = vector.shape_cast %xor3A_120 : vector<16xi32> to vector<16x1xi32>
        %gather3A = vector.shape_cast %broadcast_in_dim3A_121 : vector<16x1xi32> to vector<16xi32>
        %gather3A_122 = tpu.dynamic_gather %max3A_118[%gather3A] in [0] : vector<16xf32>, vector<16xi32> -> vector<16xf32>
        %max3A_123 = arith.maximumf %max3A_118, %gather3A_122 : vector<16xf32>
        %iota3A_124 = tpu.iota {dimensions = array<i32: 0>} : vector<16xi32>
        %xor3A_125 = arith.constant 4 : i32
        %xor3A_126 = vector.broadcast %xor3A_125 : i32 to vector<16xi32>
        %xor3A_127 = arith.xori %iota3A_124, %xor3A_126 : vector<16xi32>
        %broadcast_in_dim3A_128 = vector.shape_cast %xor3A_127 : vector<16xi32> to vector<16x1xi32>
        %gather3A_129 = vector.shape_cast %broadcast_in_dim3A_128 : vector<16x1xi32> to vector<16xi32>
        %gather3A_130 = tpu.dynamic_gather %max3A_123[%gather3A_129] in [0] : vector<16xf32>, vector<16xi32> -> vector<16xf32>
        %max3A_131 = arith.maximumf %max3A_123, %gather3A_130 : vector<16xf32>
        %iota3A_132 = tpu.iota {dimensions = array<i32: 0>} : vector<16xi32>
        %xor3A_133 = arith.constant 2 : i32
        %xor3A_134 = vector.broadcast %xor3A_133 : i32 to vector<16xi32>
        %xor3A_135 = arith.xori %iota3A_132, %xor3A_134 : vector<16xi32>
        %broadcast_in_dim3A_136 = vector.shape_cast %xor3A_135 : vector<16xi32> to vector<16x1xi32>
        %gather3A_137 = vector.shape_cast %broadcast_in_dim3A_136 : vector<16x1xi32> to vector<16xi32>
        %gather3A_138 = tpu.dynamic_gather %max3A_131[%gather3A_137] in [0] : vector<16xf32>, vector<16xi32> -> vector<16xf32>
        %max3A_139 = arith.maximumf %max3A_131, %gather3A_138 : vector<16xf32>
        %iota3A_140 = tpu.iota {dimensions = array<i32: 0>} : vector<16xi32>
        %xor3A_141 = arith.constant 1 : i32
        %xor3A_142 = vector.broadcast %xor3A_141 : i32 to vector<16xi32>
        %xor3A_143 = arith.xori %iota3A_140, %xor3A_142 : vector<16xi32>
        %broadcast_in_dim3A_144 = vector.shape_cast %xor3A_143 : vector<16xi32> to vector<16x1xi32>
        %gather3A_145 = vector.shape_cast %broadcast_in_dim3A_144 : vector<16x1xi32> to vector<16xi32>
        %gather3A_146 = tpu.dynamic_gather %max3A_139[%gather3A_145] in [0] : vector<16xf32>, vector<16xi32> -> vector<16xf32>
        %max3A_147 = arith.maximumf %max3A_139, %gather3A_146 : vector<16xf32>
        %slice3A = vector.extract_strided_slice %max3A_147 {offsets = [0], sizes = [1], strides = [1]} : vector<16xf32> to vector<1xf32>
        %squeeze3A = vector.extract %slice3A[0] : f32 from vector<1xf32>
        %broadcast_in_dim3A_148 = vector.broadcast %scan3A_37 : i32 to vector<16xi32>
        %get3A_149 = arith.constant 0 : index
        %get3A_150 = tpu.vector_load %arg8[%get3A_149] {strides = array<i32>} : memref<208xf32, #tpu.memory_space<vmem>>, vector<16xf32>,
        %get3A_151 = vector.shape_cast %get3A_150 : vector<16xf32> to vector<16xf32>
        %eq3A = vector.broadcast %squeeze3A : f32 to vector<16xf32>
        %eq3A_152 = arith.cmpf oeq, %get3A_151, %eq3A : vector<16xf32>
        %iota3A_153 = tpu.iota {dimensions = array<i32: 0>} : vector<16xi32>
        %add3A_154 = arith.constant 0 : i32
        %add3A_155 = vector.broadcast %add3A_154 : i32 to vector<16xi32>
        %add3A_156 = arith.addi %add3A_155, %iota3A_153 : vector<16xi32>
        %broadcast_in_dim3A_157 = vector.broadcast %scan3A_37 : i32 to vector<16xi32>
        %select_n3A = arith.select %eq3A_152, %add3A_156, %broadcast_in_dim3A_157 : vector<16xi1>, vector<16xi32>
        %min3A = arith.minsi %broadcast_in_dim3A_148, %select_n3A : vector<16xi32>
        %get3A_158 = arith.constant 16 : index
        %get3A_159 = tpu.vector_load %arg8[%get3A_158] {strides = array<i32>} : memref<208xf32, #tpu.memory_space<vmem>>, vector<16xf32>,
        %get3A_160 = vector.shape_cast %get3A_159 : vector<16xf32> to vector<16xf32>
        %eq3A_161 = vector.broadcast %squeeze3A : f32 to vector<16xf32>
        %eq3A_162 = arith.cmpf oeq, %get3A_160, %eq3A_161 : vector<16xf32>
        %iota3A_163 = tpu.iota {dimensions = array<i32: 0>} : vector<16xi32>
        %add3A_164 = arith.constant 16 : i32
        %add3A_165 = vector.broadcast %add3A_164 : i32 to vector<16xi32>
        %add3A_166 = arith.addi %add3A_165, %iota3A_163 : vector<16xi32>
        %broadcast_in_dim3A_167 = vector.broadcast %scan3A_37 : i32 to vector<16xi32>
        %select_n3A_168 = arith.select %eq3A_162, %add3A_166, %broadcast_in_dim3A_167 : vector<16xi1>, vector<16xi32>
        %min3A_169 = arith.minsi %min3A, %select_n3A_168 : vector<16xi32>
        %get3A_170 = arith.constant 32 : index
        %get3A_171 = tpu.vector_load %arg8[%get3A_170] {strides = array<i32>} : memref<208xf32, #tpu.memory_space<vmem>>, vector<16xf32>,
        %get3A_172 = vector.shape_cast %get3A_171 : vector<16xf32> to vector<16xf32>
        %eq3A_173 = vector.broadcast %squeeze3A : f32 to vector<16xf32>
        %eq3A_174 = arith.cmpf oeq, %get3A_172, %eq3A_173 : vector<16xf32>
        %iota3A_175 = tpu.iota {dimensions = array<i32: 0>} : vector<16xi32>
        %add3A_176 = arith.constant 32 : i32
        %add3A_177 = vector.broadcast %add3A_176 : i32 to vector<16xi32>
        %add3A_178 = arith.addi %add3A_177, %iota3A_175 : vector<16xi32>
        %broadcast_in_dim3A_179 = vector.broadcast %scan3A_37 : i32 to vector<16xi32>
        %select_n3A_180 = arith.select %eq3A_174, %add3A_178, %broadcast_in_dim3A_179 : vector<16xi1>, vector<16xi32>
        %min3A_181 = arith.minsi %min3A_169, %select_n3A_180 : vector<16xi32>
        %get3A_182 = arith.constant 48 : index
        %get3A_183 = tpu.vector_load %arg8[%get3A_182] {strides = array<i32>} : memref<208xf32, #tpu.memory_space<vmem>>, vector<16xf32>,
        %get3A_184 = vector.shape_cast %get3A_183 : vector<16xf32> to vector<16xf32>
        %eq3A_185 = vector.broadcast %squeeze3A : f32 to vector<16xf32>
        %eq3A_186 = arith.cmpf oeq, %get3A_184, %eq3A_185 : vector<16xf32>
        %iota3A_187 = tpu.iota {dimensions = array<i32: 0>} : vector<16xi32>
        %add3A_188 = arith.constant 48 : i32
        %add3A_189 = vector.broadcast %add3A_188 : i32 to vector<16xi32>
        %add3A_190 = arith.addi %add3A_189, %iota3A_187 : vector<16xi32>
        %broadcast_in_dim3A_191 = vector.broadcast %scan3A_37 : i32 to vector<16xi32>
        %select_n3A_192 = arith.select %eq3A_186, %add3A_190, %broadcast_in_dim3A_191 : vector<16xi1>, vector<16xi32>
        %min3A_193 = arith.minsi %min3A_181, %select_n3A_192 : vector<16xi32>
        %get3A_194 = arith.constant 64 : index
        %get3A_195 = tpu.vector_load %arg8[%get3A_194] {strides = array<i32>} : memref<208xf32, #tpu.memory_space<vmem>>, vector<16xf32>,
        %get3A_196 = vector.shape_cast %get3A_195 : vector<16xf32> to vector<16xf32>
        %eq3A_197 = vector.broadcast %squeeze3A : f32 to vector<16xf32>
        %eq3A_198 = arith.cmpf oeq, %get3A_196, %eq3A_197 : vector<16xf32>
        %iota3A_199 = tpu.iota {dimensions = array<i32: 0>} : vector<16xi32>
        %add3A_200 = arith.constant 64 : i32
        %add3A_201 = vector.broadcast %add3A_200 : i32 to vector<16xi32>
        %add3A_202 = arith.addi %add3A_201, %iota3A_199 : vector<16xi32>
        %broadcast_in_dim3A_203 = vector.broadcast %scan3A_37 : i32 to vector<16xi32>
        %select_n3A_204 = arith.select %eq3A_198, %add3A_202, %broadcast_in_dim3A_203 : vector<16xi1>, vector<16xi32>
        %min3A_205 = arith.minsi %min3A_193, %select_n3A_204 : vector<16xi32>
        %get3A_206 = arith.constant 80 : index
        %get3A_207 = tpu.vector_load %arg8[%get3A_206] {strides = array<i32>} : memref<208xf32, #tpu.memory_space<vmem>>, vector<16xf32>,
        %get3A_208 = vector.shape_cast %get3A_207 : vector<16xf32> to vector<16xf32>
        %eq3A_209 = vector.broadcast %squeeze3A : f32 to vector<16xf32>
        %eq3A_210 = arith.cmpf oeq, %get3A_208, %eq3A_209 : vector<16xf32>
        %iota3A_211 = tpu.iota {dimensions = array<i32: 0>} : vector<16xi32>
        %add3A_212 = arith.constant 80 : i32
        %add3A_213 = vector.broadcast %add3A_212 : i32 to vector<16xi32>
        %add3A_214 = arith.addi %add3A_213, %iota3A_211 : vector<16xi32>
        %broadcast_in_dim3A_215 = vector.broadcast %scan3A_37 : i32 to vector<16xi32>
        %select_n3A_216 = arith.select %eq3A_210, %add3A_214, %broadcast_in_dim3A_215 : vector<16xi1>, vector<16xi32>
        %min3A_217 = arith.minsi %min3A_205, %select_n3A_216 : vector<16xi32>
        %get3A_218 = arith.constant 96 : index
        %get3A_219 = tpu.vector_load %arg8[%get3A_218] {strides = array<i32>} : memref<208xf32, #tpu.memory_space<vmem>>, vector<16xf32>,
        %get3A_220 = vector.shape_cast %get3A_219 : vector<16xf32> to vector<16xf32>
        %eq3A_221 = vector.broadcast %squeeze3A : f32 to vector<16xf32>
        %eq3A_222 = arith.cmpf oeq, %get3A_220, %eq3A_221 : vector<16xf32>
        %iota3A_223 = tpu.iota {dimensions = array<i32: 0>} : vector<16xi32>
        %add3A_224 = arith.constant 96 : i32
        %add3A_225 = vector.broadcast %add3A_224 : i32 to vector<16xi32>
        %add3A_226 = arith.addi %add3A_225, %iota3A_223 : vector<16xi32>
        %broadcast_in_dim3A_227 = vector.broadcast %scan3A_37 : i32 to vector<16xi32>
        %select_n3A_228 = arith.select %eq3A_222, %add3A_226, %broadcast_in_dim3A_227 : vector<16xi1>, vector<16xi32>
        %min3A_229 = arith.minsi %min3A_217, %select_n3A_228 : vector<16xi32>
        %get3A_230 = arith.constant 112 : index
        %get3A_231 = tpu.vector_load %arg8[%get3A_230] {strides = array<i32>} : memref<208xf32, #tpu.memory_space<vmem>>, vector<16xf32>,
        %get3A_232 = vector.shape_cast %get3A_231 : vector<16xf32> to vector<16xf32>
        %eq3A_233 = vector.broadcast %squeeze3A : f32 to vector<16xf32>
        %eq3A_234 = arith.cmpf oeq, %get3A_232, %eq3A_233 : vector<16xf32>
        %iota3A_235 = tpu.iota {dimensions = array<i32: 0>} : vector<16xi32>
        %add3A_236 = arith.constant 112 : i32
        %add3A_237 = vector.broadcast %add3A_236 : i32 to vector<16xi32>
        %add3A_238 = arith.addi %add3A_237, %iota3A_235 : vector<16xi32>
        %broadcast_in_dim3A_239 = vector.broadcast %scan3A_37 : i32 to vector<16xi32>
        %select_n3A_240 = arith.select %eq3A_234, %add3A_238, %broadcast_in_dim3A_239 : vector<16xi1>, vector<16xi32>
        %min3A_241 = arith.minsi %min3A_229, %select_n3A_240 : vector<16xi32>
        %get3A_242 = arith.constant 128 : index
        %get3A_243 = tpu.vector_load %arg8[%get3A_242] {strides = array<i32>} : memref<208xf32, #tpu.memory_space<vmem>>, vector<16xf32>,
        %get3A_244 = vector.shape_cast %get3A_243 : vector<16xf32> to vector<16xf32>
        %eq3A_245 = vector.broadcast %squeeze3A : f32 to vector<16xf32>
        %eq3A_246 = arith.cmpf oeq, %get3A_244, %eq3A_245 : vector<16xf32>
        %iota3A_247 = tpu.iota {dimensions = array<i32: 0>} : vector<16xi32>
        %add3A_248 = arith.constant 128 : i32
        %add3A_249 = vector.broadcast %add3A_248 : i32 to vector<16xi32>
        %add3A_250 = arith.addi %add3A_249, %iota3A_247 : vector<16xi32>
        %broadcast_in_dim3A_251 = vector.broadcast %scan3A_37 : i32 to vector<16xi32>
        %select_n3A_252 = arith.select %eq3A_246, %add3A_250, %broadcast_in_dim3A_251 : vector<16xi1>, vector<16xi32>
        %min3A_253 = arith.minsi %min3A_241, %select_n3A_252 : vector<16xi32>
        %get3A_254 = arith.constant 144 : index
        %get3A_255 = tpu.vector_load %arg8[%get3A_254] {strides = array<i32>} : memref<208xf32, #tpu.memory_space<vmem>>, vector<16xf32>,
        %get3A_256 = vector.shape_cast %get3A_255 : vector<16xf32> to vector<16xf32>
        %eq3A_257 = vector.broadcast %squeeze3A : f32 to vector<16xf32>
        %eq3A_258 = arith.cmpf oeq, %get3A_256, %eq3A_257 : vector<16xf32>
        %iota3A_259 = tpu.iota {dimensions = array<i32: 0>} : vector<16xi32>
        %add3A_260 = arith.constant 144 : i32
        %add3A_261 = vector.broadcast %add3A_260 : i32 to vector<16xi32>
        %add3A_262 = arith.addi %add3A_261, %iota3A_259 : vector<16xi32>
        %broadcast_in_dim3A_263 = vector.broadcast %scan3A_37 : i32 to vector<16xi32>
        %select_n3A_264 = arith.select %eq3A_258, %add3A_262, %broadcast_in_dim3A_263 : vector<16xi1>, vector<16xi32>
        %min3A_265 = arith.minsi %min3A_253, %select_n3A_264 : vector<16xi32>
        %get3A_266 = arith.constant 160 : index
        %get3A_267 = tpu.vector_load %arg8[%get3A_266] {strides = array<i32>} : memref<208xf32, #tpu.memory_space<vmem>>, vector<16xf32>,
        %get3A_268 = vector.shape_cast %get3A_267 : vector<16xf32> to vector<16xf32>
        %eq3A_269 = vector.broadcast %squeeze3A : f32 to vector<16xf32>
        %eq3A_270 = arith.cmpf oeq, %get3A_268, %eq3A_269 : vector<16xf32>
        %iota3A_271 = tpu.iota {dimensions = array<i32: 0>} : vector<16xi32>
        %add3A_272 = arith.constant 160 : i32
        %add3A_273 = vector.broadcast %add3A_272 : i32 to vector<16xi32>
        %add3A_274 = arith.addi %add3A_273, %iota3A_271 : vector<16xi32>
        %broadcast_in_dim3A_275 = vector.broadcast %scan3A_37 : i32 to vector<16xi32>
        %select_n3A_276 = arith.select %eq3A_270, %add3A_274, %broadcast_in_dim3A_275 : vector<16xi1>, vector<16xi32>
        %min3A_277 = arith.minsi %min3A_265, %select_n3A_276 : vector<16xi32>
        %get3A_278 = arith.constant 176 : index
        %get3A_279 = tpu.vector_load %arg8[%get3A_278] {strides = array<i32>} : memref<208xf32, #tpu.memory_space<vmem>>, vector<16xf32>,
        %get3A_280 = vector.shape_cast %get3A_279 : vector<16xf32> to vector<16xf32>
        %eq3A_281 = vector.broadcast %squeeze3A : f32 to vector<16xf32>
        %eq3A_282 = arith.cmpf oeq, %get3A_280, %eq3A_281 : vector<16xf32>
        %iota3A_283 = tpu.iota {dimensions = array<i32: 0>} : vector<16xi32>
        %add3A_284 = arith.constant 176 : i32
        %add3A_285 = vector.broadcast %add3A_284 : i32 to vector<16xi32>
        %add3A_286 = arith.addi %add3A_285, %iota3A_283 : vector<16xi32>
        %broadcast_in_dim3A_287 = vector.broadcast %scan3A_37 : i32 to vector<16xi32>
        %select_n3A_288 = arith.select %eq3A_282, %add3A_286, %broadcast_in_dim3A_287 : vector<16xi1>, vector<16xi32>
        %min3A_289 = arith.minsi %min3A_277, %select_n3A_288 : vector<16xi32>
        %get3A_290 = arith.constant 192 : index
        %get3A_291 = tpu.vector_load %arg8[%get3A_290] {strides = array<i32>} : memref<208xf32, #tpu.memory_space<vmem>>, vector<16xf32>,
        %get3A_292 = vector.shape_cast %get3A_291 : vector<16xf32> to vector<16xf32>
        %eq3A_293 = vector.broadcast %squeeze3A : f32 to vector<16xf32>
        %eq3A_294 = arith.cmpf oeq, %get3A_292, %eq3A_293 : vector<16xf32>
        %iota3A_295 = tpu.iota {dimensions = array<i32: 0>} : vector<16xi32>
        %add3A_296 = arith.constant 192 : i32
        %add3A_297 = vector.broadcast %add3A_296 : i32 to vector<16xi32>
        %add3A_298 = arith.addi %add3A_297, %iota3A_295 : vector<16xi32>
        %broadcast_in_dim3A_299 = vector.broadcast %scan3A_37 : i32 to vector<16xi32>
        %select_n3A_300 = arith.select %eq3A_294, %add3A_298, %broadcast_in_dim3A_299 : vector<16xi1>, vector<16xi32>
        %min3A_301 = arith.minsi %min3A_289, %select_n3A_300 : vector<16xi32>
        %iota3A_302 = tpu.iota {dimensions = array<i32: 0>} : vector<16xi32>
        %xor3A_303 = arith.constant 8 : i32
        %xor3A_304 = vector.broadcast %xor3A_303 : i32 to vector<16xi32>
        %xor3A_305 = arith.xori %iota3A_302, %xor3A_304 : vector<16xi32>
        %broadcast_in_dim3A_306 = vector.shape_cast %xor3A_305 : vector<16xi32> to vector<16x1xi32>
        %gather3A_307 = vector.shape_cast %broadcast_in_dim3A_306 : vector<16x1xi32> to vector<16xi32>
        %gather3A_308 = tpu.dynamic_gather %min3A_301[%gather3A_307] in [0] : vector<16xi32>, vector<16xi32> -> vector<16xi32>
        %min3A_309 = arith.minsi %min3A_301, %gather3A_308 : vector<16xi32>
        %iota3A_310 = tpu.iota {dimensions = array<i32: 0>} : vector<16xi32>
        %xor3A_311 = arith.constant 4 : i32
        %xor3A_312 = vector.broadcast %xor3A_311 : i32 to vector<16xi32>
        %xor3A_313 = arith.xori %iota3A_310, %xor3A_312 : vector<16xi32>
        %broadcast_in_dim3A_314 = vector.shape_cast %xor3A_313 : vector<16xi32> to vector<16x1xi32>
        %gather3A_315 = vector.shape_cast %broadcast_in_dim3A_314 : vector<16x1xi32> to vector<16xi32>
        %gather3A_316 = tpu.dynamic_gather %min3A_309[%gather3A_315] in [0] : vector<16xi32>, vector<16xi32> -> vector<16xi32>
        %min3A_317 = arith.minsi %min3A_309, %gather3A_316 : vector<16xi32>
        %iota3A_318 = tpu.iota {dimensions = array<i32: 0>} : vector<16xi32>
        %xor3A_319 = arith.constant 2 : i32
        %xor3A_320 = vector.broadcast %xor3A_319 : i32 to vector<16xi32>
        %xor3A_321 = arith.xori %iota3A_318, %xor3A_320 : vector<16xi32>
        %broadcast_in_dim3A_322 = vector.shape_cast %xor3A_321 : vector<16xi32> to vector<16x1xi32>
        %gather3A_323 = vector.shape_cast %broadcast_in_dim3A_322 : vector<16x1xi32> to vector<16xi32>
        %gather3A_324 = tpu.dynamic_gather %min3A_317[%gather3A_323] in [0] : vector<16xi32>, vector<16xi32> -> vector<16xi32>
        %min3A_325 = arith.minsi %min3A_317, %gather3A_324 : vector<16xi32>
        %iota3A_326 = tpu.iota {dimensions = array<i32: 0>} : vector<16xi32>
        %xor3A_327 = arith.constant 1 : i32
        %xor3A_328 = vector.broadcast %xor3A_327 : i32 to vector<16xi32>
        %xor3A_329 = arith.xori %iota3A_326, %xor3A_328 : vector<16xi32>
        %broadcast_in_dim3A_330 = vector.shape_cast %xor3A_329 : vector<16xi32> to vector<16x1xi32>
        %gather3A_331 = vector.shape_cast %broadcast_in_dim3A_330 : vector<16x1xi32> to vector<16xi32>
        %gather3A_332 = tpu.dynamic_gather %min3A_325[%gather3A_331] in [0] : vector<16xi32>, vector<16xi32> -> vector<16xi32>
        %min3A_333 = arith.minsi %min3A_325, %gather3A_332 : vector<16xi32>
        %slice3A_334 = vector.extract_strided_slice %min3A_333 {offsets = [0], sizes = [1], strides = [1]} : vector<16xi32> to vector<1xi32>
        %squeeze3A_335 = vector.extract %slice3A_334[0] : i32 from vector<1xi32>
        %shift_right_logical3A = arith.constant 4 : i32
        %shift_right_logical3A_336 = arith.shrui %squeeze3A_335, %shift_right_logical3A : i32
        %mul3A_337 = arith.constant 128 : i32
        %mul3A_338 = arith.muli %shift_right_logical3A_336, %mul3A_337 : i32
        %mul3A_339 = arith.constant 128 : i32
        %mul3A_340 = arith.muli %shift_right_logical3A_336, %mul3A_339 : i32
        %broadcast_in_dim3A_341 = vector.broadcast %scan3A_37 : i32 to vector<16xi32>
        %add3A_342 = arith.constant 0 : i32
        %add3A_343 = arith.addi %mul3A_340, %add3A_342 : i32
        %get3A_344 = arith.index_cast %add3A_343 : i32 to index
        %get3A_345 = tpu.vector_load %arg7[%get3A_344] {strides = array<i32>} : memref<1664xf32, #tpu.memory_space<vmem>>, vector<16xf32>,
        %get3A_346 = vector.shape_cast %get3A_345 : vector<16xf32> to vector<16xf32>
        %eq3A_347 = vector.broadcast %squeeze3A : f32 to vector<16xf32>
        %eq3A_348 = arith.cmpf oeq, %get3A_346, %eq3A_347 : vector<16xf32>
        %iota3A_349 = tpu.iota {dimensions = array<i32: 0>} : vector<16xi32>
        %add3A_350 = arith.constant 0 : i32
        %add3A_351 = vector.broadcast %add3A_350 : i32 to vector<16xi32>
        %add3A_352 = arith.addi %add3A_351, %iota3A_349 : vector<16xi32>
        %broadcast_in_dim3A_353 = vector.broadcast %scan3A_37 : i32 to vector<16xi32>
        %select_n3A_354 = arith.select %eq3A_348, %add3A_352, %broadcast_in_dim3A_353 : vector<16xi1>, vector<16xi32>
        %min3A_355 = arith.minsi %broadcast_in_dim3A_341, %select_n3A_354 : vector<16xi32>
        %add3A_356 = arith.constant 16 : i32
        %add3A_357 = arith.addi %mul3A_340, %add3A_356 : i32
        %get3A_358 = arith.index_cast %add3A_357 : i32 to index
        %get3A_359 = tpu.vector_load %arg7[%get3A_358] {strides = array<i32>} : memref<1664xf32, #tpu.memory_space<vmem>>, vector<16xf32>,
        %get3A_360 = vector.shape_cast %get3A_359 : vector<16xf32> to vector<16xf32>
        %eq3A_361 = vector.broadcast %squeeze3A : f32 to vector<16xf32>
        %eq3A_362 = arith.cmpf oeq, %get3A_360, %eq3A_361 : vector<16xf32>
        %iota3A_363 = tpu.iota {dimensions = array<i32: 0>} : vector<16xi32>
        %add3A_364 = arith.constant 16 : i32
        %add3A_365 = vector.broadcast %add3A_364 : i32 to vector<16xi32>
        %add3A_366 = arith.addi %add3A_365, %iota3A_363 : vector<16xi32>
        %broadcast_in_dim3A_367 = vector.broadcast %scan3A_37 : i32 to vector<16xi32>
        %select_n3A_368 = arith.select %eq3A_362, %add3A_366, %broadcast_in_dim3A_367 : vector<16xi1>, vector<16xi32>
        %min3A_369 = arith.minsi %min3A_355, %select_n3A_368 : vector<16xi32>
        %add3A_370 = arith.constant 32 : i32
        %add3A_371 = arith.addi %mul3A_340, %add3A_370 : i32
        %get3A_372 = arith.index_cast %add3A_371 : i32 to index
        %get3A_373 = tpu.vector_load %arg7[%get3A_372] {strides = array<i32>} : memref<1664xf32, #tpu.memory_space<vmem>>, vector<16xf32>,
        %get3A_374 = vector.shape_cast %get3A_373 : vector<16xf32> to vector<16xf32>
        %eq3A_375 = vector.broadcast %squeeze3A : f32 to vector<16xf32>
        %eq3A_376 = arith.cmpf oeq, %get3A_374, %eq3A_375 : vector<16xf32>
        %iota3A_377 = tpu.iota {dimensions = array<i32: 0>} : vector<16xi32>
        %add3A_378 = arith.constant 32 : i32
        %add3A_379 = vector.broadcast %add3A_378 : i32 to vector<16xi32>
        %add3A_380 = arith.addi %add3A_379, %iota3A_377 : vector<16xi32>
        %broadcast_in_dim3A_381 = vector.broadcast %scan3A_37 : i32 to vector<16xi32>
        %select_n3A_382 = arith.select %eq3A_376, %add3A_380, %broadcast_in_dim3A_381 : vector<16xi1>, vector<16xi32>
        %min3A_383 = arith.minsi %min3A_369, %select_n3A_382 : vector<16xi32>
        %add3A_384 = arith.constant 48 : i32
        %add3A_385 = arith.addi %mul3A_340, %add3A_384 : i32
        %get3A_386 = arith.index_cast %add3A_385 : i32 to index
        %get3A_387 = tpu.vector_load %arg7[%get3A_386] {strides = array<i32>} : memref<1664xf32, #tpu.memory_space<vmem>>, vector<16xf32>,
        %get3A_388 = vector.shape_cast %get3A_387 : vector<16xf32> to vector<16xf32>
        %eq3A_389 = vector.broadcast %squeeze3A : f32 to vector<16xf32>
        %eq3A_390 = arith.cmpf oeq, %get3A_388, %eq3A_389 : vector<16xf32>
        %iota3A_391 = tpu.iota {dimensions = array<i32: 0>} : vector<16xi32>
        %add3A_392 = arith.constant 48 : i32
        %add3A_393 = vector.broadcast %add3A_392 : i32 to vector<16xi32>
        %add3A_394 = arith.addi %add3A_393, %iota3A_391 : vector<16xi32>
        %broadcast_in_dim3A_395 = vector.broadcast %scan3A_37 : i32 to vector<16xi32>
        %select_n3A_396 = arith.select %eq3A_390, %add3A_394, %broadcast_in_dim3A_395 : vector<16xi1>, vector<16xi32>
        %min3A_397 = arith.minsi %min3A_383, %select_n3A_396 : vector<16xi32>
        %add3A_398 = arith.constant 64 : i32
        %add3A_399 = arith.addi %mul3A_340, %add3A_398 : i32
        %get3A_400 = arith.index_cast %add3A_399 : i32 to index
        %get3A_401 = tpu.vector_load %arg7[%get3A_400] {strides = array<i32>} : memref<1664xf32, #tpu.memory_space<vmem>>, vector<16xf32>,
        %get3A_402 = vector.shape_cast %get3A_401 : vector<16xf32> to vector<16xf32>
        %eq3A_403 = vector.broadcast %squeeze3A : f32 to vector<16xf32>
        %eq3A_404 = arith.cmpf oeq, %get3A_402, %eq3A_403 : vector<16xf32>
        %iota3A_405 = tpu.iota {dimensions = array<i32: 0>} : vector<16xi32>
        %add3A_406 = arith.constant 64 : i32
        %add3A_407 = vector.broadcast %add3A_406 : i32 to vector<16xi32>
        %add3A_408 = arith.addi %add3A_407, %iota3A_405 : vector<16xi32>
        %broadcast_in_dim3A_409 = vector.broadcast %scan3A_37 : i32 to vector<16xi32>
        %select_n3A_410 = arith.select %eq3A_404, %add3A_408, %broadcast_in_dim3A_409 : vector<16xi1>, vector<16xi32>
        %min3A_411 = arith.minsi %min3A_397, %select_n3A_410 : vector<16xi32>
        %add3A_412 = arith.constant 80 : i32
        %add3A_413 = arith.addi %mul3A_340, %add3A_412 : i32
        %get3A_414 = arith.index_cast %add3A_413 : i32 to index
        %get3A_415 = tpu.vector_load %arg7[%get3A_414] {strides = array<i32>} : memref<1664xf32, #tpu.memory_space<vmem>>, vector<16xf32>,
        %get3A_416 = vector.shape_cast %get3A_415 : vector<16xf32> to vector<16xf32>
        %eq3A_417 = vector.broadcast %squeeze3A : f32 to vector<16xf32>
        %eq3A_418 = arith.cmpf oeq, %get3A_416, %eq3A_417 : vector<16xf32>
        %iota3A_419 = tpu.iota {dimensions = array<i32: 0>} : vector<16xi32>
        %add3A_420 = arith.constant 80 : i32
        %add3A_421 = vector.broadcast %add3A_420 : i32 to vector<16xi32>
        %add3A_422 = arith.addi %add3A_421, %iota3A_419 : vector<16xi32>
        %broadcast_in_dim3A_423 = vector.broadcast %scan3A_37 : i32 to vector<16xi32>
        %select_n3A_424 = arith.select %eq3A_418, %add3A_422, %broadcast_in_dim3A_423 : vector<16xi1>, vector<16xi32>
        %min3A_425 = arith.minsi %min3A_411, %select_n3A_424 : vector<16xi32>
        %add3A_426 = arith.constant 96 : i32
        %add3A_427 = arith.addi %mul3A_340, %add3A_426 : i32
        %get3A_428 = arith.index_cast %add3A_427 : i32 to index
        %get3A_429 = tpu.vector_load %arg7[%get3A_428] {strides = array<i32>} : memref<1664xf32, #tpu.memory_space<vmem>>, vector<16xf32>,
        %get3A_430 = vector.shape_cast %get3A_429 : vector<16xf32> to vector<16xf32>
        %eq3A_431 = vector.broadcast %squeeze3A : f32 to vector<16xf32>
        %eq3A_432 = arith.cmpf oeq, %get3A_430, %eq3A_431 : vector<16xf32>
        %iota3A_433 = tpu.iota {dimensions = array<i32: 0>} : vector<16xi32>
        %add3A_434 = arith.constant 96 : i32
        %add3A_435 = vector.broadcast %add3A_434 : i32 to vector<16xi32>
        %add3A_436 = arith.addi %add3A_435, %iota3A_433 : vector<16xi32>
        %broadcast_in_dim3A_437 = vector.broadcast %scan3A_37 : i32 to vector<16xi32>
        %select_n3A_438 = arith.select %eq3A_432, %add3A_436, %broadcast_in_dim3A_437 : vector<16xi1>, vector<16xi32>
        %min3A_439 = arith.minsi %min3A_425, %select_n3A_438 : vector<16xi32>
        %add3A_440 = arith.constant 112 : i32
        %add3A_441 = arith.addi %mul3A_340, %add3A_440 : i32
        %get3A_442 = arith.index_cast %add3A_441 : i32 to index
        %get3A_443 = tpu.vector_load %arg7[%get3A_442] {strides = array<i32>} : memref<1664xf32, #tpu.memory_space<vmem>>, vector<16xf32>,
        %get3A_444 = vector.shape_cast %get3A_443 : vector<16xf32> to vector<16xf32>
        %eq3A_445 = vector.broadcast %squeeze3A : f32 to vector<16xf32>
        %eq3A_446 = arith.cmpf oeq, %get3A_444, %eq3A_445 : vector<16xf32>
        %iota3A_447 = tpu.iota {dimensions = array<i32: 0>} : vector<16xi32>
        %add3A_448 = arith.constant 112 : i32
        %add3A_449 = vector.broadcast %add3A_448 : i32 to vector<16xi32>
        %add3A_450 = arith.addi %add3A_449, %iota3A_447 : vector<16xi32>
        %broadcast_in_dim3A_451 = vector.broadcast %scan3A_37 : i32 to vector<16xi32>
        %select_n3A_452 = arith.select %eq3A_446, %add3A_450, %broadcast_in_dim3A_451 : vector<16xi1>, vector<16xi32>
        %min3A_453 = arith.minsi %min3A_439, %select_n3A_452 : vector<16xi32>
        %iota3A_454 = tpu.iota {dimensions = array<i32: 0>} : vector<16xi32>
        %xor3A_455 = arith.constant 8 : i32
        %xor3A_456 = vector.broadcast %xor3A_455 : i32 to vector<16xi32>
        %xor3A_457 = arith.xori %iota3A_454, %xor3A_456 : vector<16xi32>
        %broadcast_in_dim3A_458 = vector.shape_cast %xor3A_457 : vector<16xi32> to vector<16x1xi32>
        %gather3A_459 = vector.shape_cast %broadcast_in_dim3A_458 : vector<16x1xi32> to vector<16xi32>
        %gather3A_460 = tpu.dynamic_gather %min3A_453[%gather3A_459] in [0] : vector<16xi32>, vector<16xi32> -> vector<16xi32>
        %min3A_461 = arith.minsi %min3A_453, %gather3A_460 : vector<16xi32>
        %iota3A_462 = tpu.iota {dimensions = array<i32: 0>} : vector<16xi32>
        %xor3A_463 = arith.constant 4 : i32
        %xor3A_464 = vector.broadcast %xor3A_463 : i32 to vector<16xi32>
        %xor3A_465 = arith.xori %iota3A_462, %xor3A_464 : vector<16xi32>
        %broadcast_in_dim3A_466 = vector.shape_cast %xor3A_465 : vector<16xi32> to vector<16x1xi32>
        %gather3A_467 = vector.shape_cast %broadcast_in_dim3A_466 : vector<16x1xi32> to vector<16xi32>
        %gather3A_468 = tpu.dynamic_gather %min3A_461[%gather3A_467] in [0] : vector<16xi32>, vector<16xi32> -> vector<16xi32>
        %min3A_469 = arith.minsi %min3A_461, %gather3A_468 : vector<16xi32>
        %iota3A_470 = tpu.iota {dimensions = array<i32: 0>} : vector<16xi32>
        %xor3A_471 = arith.constant 2 : i32
        %xor3A_472 = vector.broadcast %xor3A_471 : i32 to vector<16xi32>
        %xor3A_473 = arith.xori %iota3A_470, %xor3A_472 : vector<16xi32>
        %broadcast_in_dim3A_474 = vector.shape_cast %xor3A_473 : vector<16xi32> to vector<16x1xi32>
        %gather3A_475 = vector.shape_cast %broadcast_in_dim3A_474 : vector<16x1xi32> to vector<16xi32>
        %gather3A_476 = tpu.dynamic_gather %min3A_469[%gather3A_475] in [0] : vector<16xi32>, vector<16xi32> -> vector<16xi32>
        %min3A_477 = arith.minsi %min3A_469, %gather3A_476 : vector<16xi32>
        %iota3A_478 = tpu.iota {dimensions = array<i32: 0>} : vector<16xi32>
        %xor3A_479 = arith.constant 1 : i32
        %xor3A_480 = vector.broadcast %xor3A_479 : i32 to vector<16xi32>
        %xor3A_481 = arith.xori %iota3A_478, %xor3A_480 : vector<16xi32>
        %broadcast_in_dim3A_482 = vector.shape_cast %xor3A_481 : vector<16xi32> to vector<16x1xi32>
        %gather3A_483 = vector.shape_cast %broadcast_in_dim3A_482 : vector<16x1xi32> to vector<16xi32>
        %gather3A_484 = tpu.dynamic_gather %min3A_477[%gather3A_483] in [0] : vector<16xi32>, vector<16xi32> -> vector<16xi32>
        %min3A_485 = arith.minsi %min3A_477, %gather3A_484 : vector<16xi32>
        %slice3A_486 = vector.extract_strided_slice %min3A_485 {offsets = [0], sizes = [1], strides = [1]} : vector<16xi32> to vector<1xi32>
        %squeeze3A_487 = vector.extract %slice3A_486[0] : i32 from vector<1xi32>
        %add3A_488 = arith.addi %mul3A_338, %squeeze3A_487 : i32
        %shift_right_logical3A_489 = arith.constant 4 : i32
        %shift_right_logical3A_490 = arith.shrui %add3A_488, %shift_right_logical3A_489 : i32
        %mul3A_491 = arith.constant 128 : i32
        %mul3A_492 = arith.muli %shift_right_logical3A_490, %mul3A_491 : i32
        %mul3A_493 = arith.constant 128 : i32
        %mul3A_494 = arith.muli %shift_right_logical3A_490, %mul3A_493 : i32
        %broadcast_in_dim3A_495 = vector.broadcast %scan3A_37 : i32 to vector<16xi32>
        %add3A_496 = arith.constant 0 : i32
        %add3A_497 = arith.addi %mul3A_494, %add3A_496 : i32
        %get3A_498 = arith.index_cast %add3A_497 : i32 to index
        %get3A_499 = tpu.vector_load %arg6[%get3A_498] {strides = array<i32>} : memref<12544xf32, #tpu.memory_space<vmem>>, vector<16xf32>,
        %get3A_500 = vector.shape_cast %get3A_499 : vector<16xf32> to vector<16xf32>
        %eq3A_501 = vector.broadcast %squeeze3A : f32 to vector<16xf32>
        %eq3A_502 = arith.cmpf oeq, %get3A_500, %eq3A_501 : vector<16xf32>
        %iota3A_503 = tpu.iota {dimensions = array<i32: 0>} : vector<16xi32>
        %add3A_504 = arith.constant 0 : i32
        %add3A_505 = vector.broadcast %add3A_504 : i32 to vector<16xi32>
        %add3A_506 = arith.addi %add3A_505, %iota3A_503 : vector<16xi32>
        %broadcast_in_dim3A_507 = vector.broadcast %scan3A_37 : i32 to vector<16xi32>
        %select_n3A_508 = arith.select %eq3A_502, %add3A_506, %broadcast_in_dim3A_507 : vector<16xi1>, vector<16xi32>
        %min3A_509 = arith.minsi %broadcast_in_dim3A_495, %select_n3A_508 : vector<16xi32>
        %add3A_510 = arith.constant 16 : i32
        %add3A_511 = arith.addi %mul3A_494, %add3A_510 : i32
        %get3A_512 = arith.index_cast %add3A_511 : i32 to index
        %get3A_513 = tpu.vector_load %arg6[%get3A_512] {strides = array<i32>} : memref<12544xf32, #tpu.memory_space<vmem>>, vector<16xf32>,
        %get3A_514 = vector.shape_cast %get3A_513 : vector<16xf32> to vector<16xf32>
        %eq3A_515 = vector.broadcast %squeeze3A : f32 to vector<16xf32>
        %eq3A_516 = arith.cmpf oeq, %get3A_514, %eq3A_515 : vector<16xf32>
        %iota3A_517 = tpu.iota {dimensions = array<i32: 0>} : vector<16xi32>
        %add3A_518 = arith.constant 16 : i32
        %add3A_519 = vector.broadcast %add3A_518 : i32 to vector<16xi32>
        %add3A_520 = arith.addi %add3A_519, %iota3A_517 : vector<16xi32>
        %broadcast_in_dim3A_521 = vector.broadcast %scan3A_37 : i32 to vector<16xi32>
        %select_n3A_522 = arith.select %eq3A_516, %add3A_520, %broadcast_in_dim3A_521 : vector<16xi1>, vector<16xi32>
        %min3A_523 = arith.minsi %min3A_509, %select_n3A_522 : vector<16xi32>
        %add3A_524 = arith.constant 32 : i32
        %add3A_525 = arith.addi %mul3A_494, %add3A_524 : i32
        %get3A_526 = arith.index_cast %add3A_525 : i32 to index
        %get3A_527 = tpu.vector_load %arg6[%get3A_526] {strides = array<i32>} : memref<12544xf32, #tpu.memory_space<vmem>>, vector<16xf32>,
        %get3A_528 = vector.shape_cast %get3A_527 : vector<16xf32> to vector<16xf32>
        %eq3A_529 = vector.broadcast %squeeze3A : f32 to vector<16xf32>
        %eq3A_530 = arith.cmpf oeq, %get3A_528, %eq3A_529 : vector<16xf32>
        %iota3A_531 = tpu.iota {dimensions = array<i32: 0>} : vector<16xi32>
        %add3A_532 = arith.constant 32 : i32
        %add3A_533 = vector.broadcast %add3A_532 : i32 to vector<16xi32>
        %add3A_534 = arith.addi %add3A_533, %iota3A_531 : vector<16xi32>
        %broadcast_in_dim3A_535 = vector.broadcast %scan3A_37 : i32 to vector<16xi32>
        %select_n3A_536 = arith.select %eq3A_530, %add3A_534, %broadcast_in_dim3A_535 : vector<16xi1>, vector<16xi32>
        %min3A_537 = arith.minsi %min3A_523, %select_n3A_536 : vector<16xi32>
        %add3A_538 = arith.constant 48 : i32
        %add3A_539 = arith.addi %mul3A_494, %add3A_538 : i32
        %get3A_540 = arith.index_cast %add3A_539 : i32 to index
        %get3A_541 = tpu.vector_load %arg6[%get3A_540] {strides = array<i32>} : memref<12544xf32, #tpu.memory_space<vmem>>, vector<16xf32>,
        %get3A_542 = vector.shape_cast %get3A_541 : vector<16xf32> to vector<16xf32>
        %eq3A_543 = vector.broadcast %squeeze3A : f32 to vector<16xf32>
        %eq3A_544 = arith.cmpf oeq, %get3A_542, %eq3A_543 : vector<16xf32>
        %iota3A_545 = tpu.iota {dimensions = array<i32: 0>} : vector<16xi32>
        %add3A_546 = arith.constant 48 : i32
        %add3A_547 = vector.broadcast %add3A_546 : i32 to vector<16xi32>
        %add3A_548 = arith.addi %add3A_547, %iota3A_545 : vector<16xi32>
        %broadcast_in_dim3A_549 = vector.broadcast %scan3A_37 : i32 to vector<16xi32>
        %select_n3A_550 = arith.select %eq3A_544, %add3A_548, %broadcast_in_dim3A_549 : vector<16xi1>, vector<16xi32>
        %min3A_551 = arith.minsi %min3A_537, %select_n3A_550 : vector<16xi32>
        %add3A_552 = arith.constant 64 : i32
        %add3A_553 = arith.addi %mul3A_494, %add3A_552 : i32
        %get3A_554 = arith.index_cast %add3A_553 : i32 to index
        %get3A_555 = tpu.vector_load %arg6[%get3A_554] {strides = array<i32>} : memref<12544xf32, #tpu.memory_space<vmem>>, vector<16xf32>,
        %get3A_556 = vector.shape_cast %get3A_555 : vector<16xf32> to vector<16xf32>
        %eq3A_557 = vector.broadcast %squeeze3A : f32 to vector<16xf32>
        %eq3A_558 = arith.cmpf oeq, %get3A_556, %eq3A_557 : vector<16xf32>
        %iota3A_559 = tpu.iota {dimensions = array<i32: 0>} : vector<16xi32>
        %add3A_560 = arith.constant 64 : i32
        %add3A_561 = vector.broadcast %add3A_560 : i32 to vector<16xi32>
        %add3A_562 = arith.addi %add3A_561, %iota3A_559 : vector<16xi32>
        %broadcast_in_dim3A_563 = vector.broadcast %scan3A_37 : i32 to vector<16xi32>
        %select_n3A_564 = arith.select %eq3A_558, %add3A_562, %broadcast_in_dim3A_563 : vector<16xi1>, vector<16xi32>
        %min3A_565 = arith.minsi %min3A_551, %select_n3A_564 : vector<16xi32>
        %add3A_566 = arith.constant 80 : i32
        %add3A_567 = arith.addi %mul3A_494, %add3A_566 : i32
        %get3A_568 = arith.index_cast %add3A_567 : i32 to index
        %get3A_569 = tpu.vector_load %arg6[%get3A_568] {strides = array<i32>} : memref<12544xf32, #tpu.memory_space<vmem>>, vector<16xf32>,
        %get3A_570 = vector.shape_cast %get3A_569 : vector<16xf32> to vector<16xf32>
        %eq3A_571 = vector.broadcast %squeeze3A : f32 to vector<16xf32>
        %eq3A_572 = arith.cmpf oeq, %get3A_570, %eq3A_571 : vector<16xf32>
        %iota3A_573 = tpu.iota {dimensions = array<i32: 0>} : vector<16xi32>
        %add3A_574 = arith.constant 80 : i32
        %add3A_575 = vector.broadcast %add3A_574 : i32 to vector<16xi32>
        %add3A_576 = arith.addi %add3A_575, %iota3A_573 : vector<16xi32>
        %broadcast_in_dim3A_577 = vector.broadcast %scan3A_37 : i32 to vector<16xi32>
        %select_n3A_578 = arith.select %eq3A_572, %add3A_576, %broadcast_in_dim3A_577 : vector<16xi1>, vector<16xi32>
        %min3A_579 = arith.minsi %min3A_565, %select_n3A_578 : vector<16xi32>
        %add3A_580 = arith.constant 96 : i32
        %add3A_581 = arith.addi %mul3A_494, %add3A_580 : i32
        %get3A_582 = arith.index_cast %add3A_581 : i32 to index
        %get3A_583 = tpu.vector_load %arg6[%get3A_582] {strides = array<i32>} : memref<12544xf32, #tpu.memory_space<vmem>>, vector<16xf32>,
        %get3A_584 = vector.shape_cast %get3A_583 : vector<16xf32> to vector<16xf32>
        %eq3A_585 = vector.broadcast %squeeze3A : f32 to vector<16xf32>
        %eq3A_586 = arith.cmpf oeq, %get3A_584, %eq3A_585 : vector<16xf32>
        %iota3A_587 = tpu.iota {dimensions = array<i32: 0>} : vector<16xi32>
        %add3A_588 = arith.constant 96 : i32
        %add3A_589 = vector.broadcast %add3A_588 : i32 to vector<16xi32>
        %add3A_590 = arith.addi %add3A_589, %iota3A_587 : vector<16xi32>
        %broadcast_in_dim3A_591 = vector.broadcast %scan3A_37 : i32 to vector<16xi32>
        %select_n3A_592 = arith.select %eq3A_586, %add3A_590, %broadcast_in_dim3A_591 : vector<16xi1>, vector<16xi32>
        %min3A_593 = arith.minsi %min3A_579, %select_n3A_592 : vector<16xi32>
        %add3A_594 = arith.constant 112 : i32
        %add3A_595 = arith.addi %mul3A_494, %add3A_594 : i32
        %get3A_596 = arith.index_cast %add3A_595 : i32 to index
        %get3A_597 = tpu.vector_load %arg6[%get3A_596] {strides = array<i32>} : memref<12544xf32, #tpu.memory_space<vmem>>, vector<16xf32>,
        %get3A_598 = vector.shape_cast %get3A_597 : vector<16xf32> to vector<16xf32>
        %eq3A_599 = vector.broadcast %squeeze3A : f32 to vector<16xf32>
        %eq3A_600 = arith.cmpf oeq, %get3A_598, %eq3A_599 : vector<16xf32>
        %iota3A_601 = tpu.iota {dimensions = array<i32: 0>} : vector<16xi32>
        %add3A_602 = arith.constant 112 : i32
        %add3A_603 = vector.broadcast %add3A_602 : i32 to vector<16xi32>
        %add3A_604 = arith.addi %add3A_603, %iota3A_601 : vector<16xi32>
        %broadcast_in_dim3A_605 = vector.broadcast %scan3A_37 : i32 to vector<16xi32>
        %select_n3A_606 = arith.select %eq3A_600, %add3A_604, %broadcast_in_dim3A_605 : vector<16xi1>, vector<16xi32>
        %min3A_607 = arith.minsi %min3A_593, %select_n3A_606 : vector<16xi32>
        %iota3A_608 = tpu.iota {dimensions = array<i32: 0>} : vector<16xi32>
        %xor3A_609 = arith.constant 8 : i32
        %xor3A_610 = vector.broadcast %xor3A_609 : i32 to vector<16xi32>
        %xor3A_611 = arith.xori %iota3A_608, %xor3A_610 : vector<16xi32>
        %broadcast_in_dim3A_612 = vector.shape_cast %xor3A_611 : vector<16xi32> to vector<16x1xi32>
        %gather3A_613 = vector.shape_cast %broadcast_in_dim3A_612 : vector<16x1xi32> to vector<16xi32>
        %gather3A_614 = tpu.dynamic_gather %min3A_607[%gather3A_613] in [0] : vector<16xi32>, vector<16xi32> -> vector<16xi32>
        %min3A_615 = arith.minsi %min3A_607, %gather3A_614 : vector<16xi32>
        %iota3A_616 = tpu.iota {dimensions = array<i32: 0>} : vector<16xi32>
        %xor3A_617 = arith.constant 4 : i32
        %xor3A_618 = vector.broadcast %xor3A_617 : i32 to vector<16xi32>
        %xor3A_619 = arith.xori %iota3A_616, %xor3A_618 : vector<16xi32>
        %broadcast_in_dim3A_620 = vector.shape_cast %xor3A_619 : vector<16xi32> to vector<16x1xi32>
        %gather3A_621 = vector.shape_cast %broadcast_in_dim3A_620 : vector<16x1xi32> to vector<16xi32>
        %gather3A_622 = tpu.dynamic_gather %min3A_615[%gather3A_621] in [0] : vector<16xi32>, vector<16xi32> -> vector<16xi32>
        %min3A_623 = arith.minsi %min3A_615, %gather3A_622 : vector<16xi32>
        %iota3A_624 = tpu.iota {dimensions = array<i32: 0>} : vector<16xi32>
        %xor3A_625 = arith.constant 2 : i32
        %xor3A_626 = vector.broadcast %xor3A_625 : i32 to vector<16xi32>
        %xor3A_627 = arith.xori %iota3A_624, %xor3A_626 : vector<16xi32>
        %broadcast_in_dim3A_628 = vector.shape_cast %xor3A_627 : vector<16xi32> to vector<16x1xi32>
        %gather3A_629 = vector.shape_cast %broadcast_in_dim3A_628 : vector<16x1xi32> to vector<16xi32>
        %gather3A_630 = tpu.dynamic_gather %min3A_623[%gather3A_629] in [0] : vector<16xi32>, vector<16xi32> -> vector<16xi32>
        %min3A_631 = arith.minsi %min3A_623, %gather3A_630 : vector<16xi32>
        %iota3A_632 = tpu.iota {dimensions = array<i32: 0>} : vector<16xi32>
        %xor3A_633 = arith.constant 1 : i32
        %xor3A_634 = vector.broadcast %xor3A_633 : i32 to vector<16xi32>
        %xor3A_635 = arith.xori %iota3A_632, %xor3A_634 : vector<16xi32>
        %broadcast_in_dim3A_636 = vector.shape_cast %xor3A_635 : vector<16xi32> to vector<16x1xi32>
        %gather3A_637 = vector.shape_cast %broadcast_in_dim3A_636 : vector<16x1xi32> to vector<16xi32>
        %gather3A_638 = tpu.dynamic_gather %min3A_631[%gather3A_637] in [0] : vector<16xi32>, vector<16xi32> -> vector<16xi32>
        %min3A_639 = arith.minsi %min3A_631, %gather3A_638 : vector<16xi32>
        %slice3A_640 = vector.extract_strided_slice %min3A_639 {offsets = [0], sizes = [1], strides = [1]} : vector<16xi32> to vector<1xi32>
        %squeeze3A_641 = vector.extract %slice3A_640[0] : i32 from vector<1xi32>
        %add3A_642 = arith.addi %mul3A_492, %squeeze3A_641 : i32
        %shift_right_logical3A_643 = arith.constant 4 : i32
        %shift_right_logical3A_644 = arith.shrui %add3A_642, %shift_right_logical3A_643 : i32
        %mul3A_645 = arith.constant 128 : i32
        %mul3A_646 = arith.muli %shift_right_logical3A_644, %mul3A_645 : i32
        %mul3A_647 = arith.constant 128 : i32
        %mul3A_648 = arith.muli %shift_right_logical3A_644, %mul3A_647 : i32
        %broadcast_in_dim3A_649 = vector.broadcast %scan3A_37 : i32 to vector<16xi32>
        %add3A_650 = arith.constant 0 : i32
        %add3A_651 = arith.addi %mul3A_648, %add3A_650 : i32
        %get3A_652 = arith.index_cast %add3A_651 : i32 to index
        %get3A_653 = tpu.vector_load %arg5[%get3A_652] {strides = array<i32>} : memref<100352xf32, #tpu.memory_space<vmem>>, vector<16xf32>,
        %get3A_654 = vector.shape_cast %get3A_653 : vector<16xf32> to vector<16xf32>
        %eq3A_655 = vector.broadcast %squeeze3A : f32 to vector<16xf32>
        %eq3A_656 = arith.cmpf oeq, %get3A_654, %eq3A_655 : vector<16xf32>
        %iota3A_657 = tpu.iota {dimensions = array<i32: 0>} : vector<16xi32>
        %add3A_658 = arith.constant 0 : i32
        %add3A_659 = vector.broadcast %add3A_658 : i32 to vector<16xi32>
        %add3A_660 = arith.addi %add3A_659, %iota3A_657 : vector<16xi32>
        %broadcast_in_dim3A_661 = vector.broadcast %scan3A_37 : i32 to vector<16xi32>
        %select_n3A_662 = arith.select %eq3A_656, %add3A_660, %broadcast_in_dim3A_661 : vector<16xi1>, vector<16xi32>
        %min3A_663 = arith.minsi %broadcast_in_dim3A_649, %select_n3A_662 : vector<16xi32>
        %add3A_664 = arith.constant 16 : i32
        %add3A_665 = arith.addi %mul3A_648, %add3A_664 : i32
        %get3A_666 = arith.index_cast %add3A_665 : i32 to index
        %get3A_667 = tpu.vector_load %arg5[%get3A_666] {strides = array<i32>} : memref<100352xf32, #tpu.memory_space<vmem>>, vector<16xf32>,
        %get3A_668 = vector.shape_cast %get3A_667 : vector<16xf32> to vector<16xf32>
        %eq3A_669 = vector.broadcast %squeeze3A : f32 to vector<16xf32>
        %eq3A_670 = arith.cmpf oeq, %get3A_668, %eq3A_669 : vector<16xf32>
        %iota3A_671 = tpu.iota {dimensions = array<i32: 0>} : vector<16xi32>
        %add3A_672 = arith.constant 16 : i32
        %add3A_673 = vector.broadcast %add3A_672 : i32 to vector<16xi32>
        %add3A_674 = arith.addi %add3A_673, %iota3A_671 : vector<16xi32>
        %broadcast_in_dim3A_675 = vector.broadcast %scan3A_37 : i32 to vector<16xi32>
        %select_n3A_676 = arith.select %eq3A_670, %add3A_674, %broadcast_in_dim3A_675 : vector<16xi1>, vector<16xi32>
        %min3A_677 = arith.minsi %min3A_663, %select_n3A_676 : vector<16xi32>
        %add3A_678 = arith.constant 32 : i32
        %add3A_679 = arith.addi %mul3A_648, %add3A_678 : i32
        %get3A_680 = arith.index_cast %add3A_679 : i32 to index
        %get3A_681 = tpu.vector_load %arg5[%get3A_680] {strides = array<i32>} : memref<100352xf32, #tpu.memory_space<vmem>>, vector<16xf32>,
        %get3A_682 = vector.shape_cast %get3A_681 : vector<16xf32> to vector<16xf32>
        %eq3A_683 = vector.broadcast %squeeze3A : f32 to vector<16xf32>
        %eq3A_684 = arith.cmpf oeq, %get3A_682, %eq3A_683 : vector<16xf32>
        %iota3A_685 = tpu.iota {dimensions = array<i32: 0>} : vector<16xi32>
        %add3A_686 = arith.constant 32 : i32
        %add3A_687 = vector.broadcast %add3A_686 : i32 to vector<16xi32>
        %add3A_688 = arith.addi %add3A_687, %iota3A_685 : vector<16xi32>
        %broadcast_in_dim3A_689 = vector.broadcast %scan3A_37 : i32 to vector<16xi32>
        %select_n3A_690 = arith.select %eq3A_684, %add3A_688, %broadcast_in_dim3A_689 : vector<16xi1>, vector<16xi32>
        %min3A_691 = arith.minsi %min3A_677, %select_n3A_690 : vector<16xi32>
        %add3A_692 = arith.constant 48 : i32
        %add3A_693 = arith.addi %mul3A_648, %add3A_692 : i32
        %get3A_694 = arith.index_cast %add3A_693 : i32 to index
        %get3A_695 = tpu.vector_load %arg5[%get3A_694] {strides = array<i32>} : memref<100352xf32, #tpu.memory_space<vmem>>, vector<16xf32>,
        %get3A_696 = vector.shape_cast %get3A_695 : vector<16xf32> to vector<16xf32>
        %eq3A_697 = vector.broadcast %squeeze3A : f32 to vector<16xf32>
        %eq3A_698 = arith.cmpf oeq, %get3A_696, %eq3A_697 : vector<16xf32>
        %iota3A_699 = tpu.iota {dimensions = array<i32: 0>} : vector<16xi32>
        %add3A_700 = arith.constant 48 : i32
        %add3A_701 = vector.broadcast %add3A_700 : i32 to vector<16xi32>
        %add3A_702 = arith.addi %add3A_701, %iota3A_699 : vector<16xi32>
        %broadcast_in_dim3A_703 = vector.broadcast %scan3A_37 : i32 to vector<16xi32>
        %select_n3A_704 = arith.select %eq3A_698, %add3A_702, %broadcast_in_dim3A_703 : vector<16xi1>, vector<16xi32>
        %min3A_705 = arith.minsi %min3A_691, %select_n3A_704 : vector<16xi32>
        %add3A_706 = arith.constant 64 : i32
        %add3A_707 = arith.addi %mul3A_648, %add3A_706 : i32
        %get3A_708 = arith.index_cast %add3A_707 : i32 to index
        %get3A_709 = tpu.vector_load %arg5[%get3A_708] {strides = array<i32>} : memref<100352xf32, #tpu.memory_space<vmem>>, vector<16xf32>,
        %get3A_710 = vector.shape_cast %get3A_709 : vector<16xf32> to vector<16xf32>
        %eq3A_711 = vector.broadcast %squeeze3A : f32 to vector<16xf32>
        %eq3A_712 = arith.cmpf oeq, %get3A_710, %eq3A_711 : vector<16xf32>
        %iota3A_713 = tpu.iota {dimensions = array<i32: 0>} : vector<16xi32>
        %add3A_714 = arith.constant 64 : i32
        %add3A_715 = vector.broadcast %add3A_714 : i32 to vector<16xi32>
        %add3A_716 = arith.addi %add3A_715, %iota3A_713 : vector<16xi32>
        %broadcast_in_dim3A_717 = vector.broadcast %scan3A_37 : i32 to vector<16xi32>
        %select_n3A_718 = arith.select %eq3A_712, %add3A_716, %broadcast_in_dim3A_717 : vector<16xi1>, vector<16xi32>
        %min3A_719 = arith.minsi %min3A_705, %select_n3A_718 : vector<16xi32>
        %add3A_720 = arith.constant 80 : i32
        %add3A_721 = arith.addi %mul3A_648, %add3A_720 : i32
        %get3A_722 = arith.index_cast %add3A_721 : i32 to index
        %get3A_723 = tpu.vector_load %arg5[%get3A_722] {strides = array<i32>} : memref<100352xf32, #tpu.memory_space<vmem>>, vector<16xf32>,
        %get3A_724 = vector.shape_cast %get3A_723 : vector<16xf32> to vector<16xf32>
        %eq3A_725 = vector.broadcast %squeeze3A : f32 to vector<16xf32>
        %eq3A_726 = arith.cmpf oeq, %get3A_724, %eq3A_725 : vector<16xf32>
        %iota3A_727 = tpu.iota {dimensions = array<i32: 0>} : vector<16xi32>
        %add3A_728 = arith.constant 80 : i32
        %add3A_729 = vector.broadcast %add3A_728 : i32 to vector<16xi32>
        %add3A_730 = arith.addi %add3A_729, %iota3A_727 : vector<16xi32>
        %broadcast_in_dim3A_731 = vector.broadcast %scan3A_37 : i32 to vector<16xi32>
        %select_n3A_732 = arith.select %eq3A_726, %add3A_730, %broadcast_in_dim3A_731 : vector<16xi1>, vector<16xi32>
        %min3A_733 = arith.minsi %min3A_719, %select_n3A_732 : vector<16xi32>
        %add3A_734 = arith.constant 96 : i32
        %add3A_735 = arith.addi %mul3A_648, %add3A_734 : i32
        %get3A_736 = arith.index_cast %add3A_735 : i32 to index
        %get3A_737 = tpu.vector_load %arg5[%get3A_736] {strides = array<i32>} : memref<100352xf32, #tpu.memory_space<vmem>>, vector<16xf32>,
        %get3A_738 = vector.shape_cast %get3A_737 : vector<16xf32> to vector<16xf32>
        %eq3A_739 = vector.broadcast %squeeze3A : f32 to vector<16xf32>
        %eq3A_740 = arith.cmpf oeq, %get3A_738, %eq3A_739 : vector<16xf32>
        %iota3A_741 = tpu.iota {dimensions = array<i32: 0>} : vector<16xi32>
        %add3A_742 = arith.constant 96 : i32
        %add3A_743 = vector.broadcast %add3A_742 : i32 to vector<16xi32>
        %add3A_744 = arith.addi %add3A_743, %iota3A_741 : vector<16xi32>
        %broadcast_in_dim3A_745 = vector.broadcast %scan3A_37 : i32 to vector<16xi32>
        %select_n3A_746 = arith.select %eq3A_740, %add3A_744, %broadcast_in_dim3A_745 : vector<16xi1>, vector<16xi32>
        %min3A_747 = arith.minsi %min3A_733, %select_n3A_746 : vector<16xi32>
        %add3A_748 = arith.constant 112 : i32
        %add3A_749 = arith.addi %mul3A_648, %add3A_748 : i32
        %get3A_750 = arith.index_cast %add3A_749 : i32 to index
        %get3A_751 = tpu.vector_load %arg5[%get3A_750] {strides = array<i32>} : memref<100352xf32, #tpu.memory_space<vmem>>, vector<16xf32>,
        %get3A_752 = vector.shape_cast %get3A_751 : vector<16xf32> to vector<16xf32>
        %eq3A_753 = vector.broadcast %squeeze3A : f32 to vector<16xf32>
        %eq3A_754 = arith.cmpf oeq, %get3A_752, %eq3A_753 : vector<16xf32>
        %iota3A_755 = tpu.iota {dimensions = array<i32: 0>} : vector<16xi32>
        %add3A_756 = arith.constant 112 : i32
        %add3A_757 = vector.broadcast %add3A_756 : i32 to vector<16xi32>
        %add3A_758 = arith.addi %add3A_757, %iota3A_755 : vector<16xi32>
        %broadcast_in_dim3A_759 = vector.broadcast %scan3A_37 : i32 to vector<16xi32>
        %select_n3A_760 = arith.select %eq3A_754, %add3A_758, %broadcast_in_dim3A_759 : vector<16xi1>, vector<16xi32>
        %min3A_761 = arith.minsi %min3A_747, %select_n3A_760 : vector<16xi32>
        %iota3A_762 = tpu.iota {dimensions = array<i32: 0>} : vector<16xi32>
        %xor3A_763 = arith.constant 8 : i32
        %xor3A_764 = vector.broadcast %xor3A_763 : i32 to vector<16xi32>
        %xor3A_765 = arith.xori %iota3A_762, %xor3A_764 : vector<16xi32>
        %broadcast_in_dim3A_766 = vector.shape_cast %xor3A_765 : vector<16xi32> to vector<16x1xi32>
        %gather3A_767 = vector.shape_cast %broadcast_in_dim3A_766 : vector<16x1xi32> to vector<16xi32>
        %gather3A_768 = tpu.dynamic_gather %min3A_761[%gather3A_767] in [0] : vector<16xi32>, vector<16xi32> -> vector<16xi32>
        %min3A_769 = arith.minsi %min3A_761, %gather3A_768 : vector<16xi32>
        %iota3A_770 = tpu.iota {dimensions = array<i32: 0>} : vector<16xi32>
        %xor3A_771 = arith.constant 4 : i32
        %xor3A_772 = vector.broadcast %xor3A_771 : i32 to vector<16xi32>
        %xor3A_773 = arith.xori %iota3A_770, %xor3A_772 : vector<16xi32>
        %broadcast_in_dim3A_774 = vector.shape_cast %xor3A_773 : vector<16xi32> to vector<16x1xi32>
        %gather3A_775 = vector.shape_cast %broadcast_in_dim3A_774 : vector<16x1xi32> to vector<16xi32>
        %gather3A_776 = tpu.dynamic_gather %min3A_769[%gather3A_775] in [0] : vector<16xi32>, vector<16xi32> -> vector<16xi32>
        %min3A_777 = arith.minsi %min3A_769, %gather3A_776 : vector<16xi32>
        %iota3A_778 = tpu.iota {dimensions = array<i32: 0>} : vector<16xi32>
        %xor3A_779 = arith.constant 2 : i32
        %xor3A_780 = vector.broadcast %xor3A_779 : i32 to vector<16xi32>
        %xor3A_781 = arith.xori %iota3A_778, %xor3A_780 : vector<16xi32>
        %broadcast_in_dim3A_782 = vector.shape_cast %xor3A_781 : vector<16xi32> to vector<16x1xi32>
        %gather3A_783 = vector.shape_cast %broadcast_in_dim3A_782 : vector<16x1xi32> to vector<16xi32>
        %gather3A_784 = tpu.dynamic_gather %min3A_777[%gather3A_783] in [0] : vector<16xi32>, vector<16xi32> -> vector<16xi32>
        %min3A_785 = arith.minsi %min3A_777, %gather3A_784 : vector<16xi32>
        %iota3A_786 = tpu.iota {dimensions = array<i32: 0>} : vector<16xi32>
        %xor3A_787 = arith.constant 1 : i32
        %xor3A_788 = vector.broadcast %xor3A_787 : i32 to vector<16xi32>
        %xor3A_789 = arith.xori %iota3A_786, %xor3A_788 : vector<16xi32>
        %broadcast_in_dim3A_790 = vector.shape_cast %xor3A_789 : vector<16xi32> to vector<16x1xi32>
        %gather3A_791 = vector.shape_cast %broadcast_in_dim3A_790 : vector<16x1xi32> to vector<16xi32>
        %gather3A_792 = tpu.dynamic_gather %min3A_785[%gather3A_791] in [0] : vector<16xi32>, vector<16xi32> -> vector<16xi32>
        %min3A_793 = arith.minsi %min3A_785, %gather3A_792 : vector<16xi32>
        %slice3A_794 = vector.extract_strided_slice %min3A_793 {offsets = [0], sizes = [1], strides = [1]} : vector<16xi32> to vector<1xi32>
        %squeeze3A_795 = vector.extract %slice3A_794[0] : i32 from vector<1xi32>
        %add3A_796 = arith.addi %mul3A_646, %squeeze3A_795 : i32
        %not3A = arith.constant 15 : i32
        %not3A_797 = arith.constant -1 : i32
        %not3A_798 = arith.xori %not3A, %not3A_797 : i32
        %and3A = arith.andi %add3A_796, %not3A_798 : i32
        %and3A_799 = arith.constant 15 : i32
        %and3A_800 = arith.andi %add3A_796, %and3A_799 : i32
        %get3A_801 = arith.index_cast %and3A : i32 to index
        %get3A_802 = tpu.vector_load %arg5[%get3A_801] {strides = array<i32>} : memref<100352xf32, #tpu.memory_space<vmem>>, vector<16xf32>,
        %get3A_803 = vector.shape_cast %get3A_802 : vector<16xf32> to vector<16xf32>
        %iota3A_804 = tpu.iota {dimensions = array<i32: 0>} : vector<16xi32>
        %eq3A_805 = vector.broadcast %and3A_800 : i32 to vector<16xi32>
        %eq3A_806 = arith.cmpi eq, %iota3A_804, %eq3A_805 : vector<16xi32>
        %jit3A = arith.constant -3.000000e+38 : f32
        %broadcast_in_dim3A_807 = vector.broadcast %jit3A : f32 to vector<16xf32>
        %select_n3A_808 = arith.select %eq3A_806, %broadcast_in_dim3A_807, %get3A_803 : vector<16xi1>, vector<16xf32>
        %swap3A_809 = arith.index_cast %and3A : i32 to index
        %swap3A_810 = tpu.vector_load %arg5[%swap3A_809] {strides = array<i32>} : memref<100352xf32, #tpu.memory_space<vmem>>, vector<16xf32>,
        %swap3A_811 = vector.shape_cast %swap3A_810 : vector<16xf32> to vector<16xf32>
        %swap3A_812 = vector.shape_cast %select_n3A_808 : vector<16xf32> to vector<16xf32>
        tpu.vector_store %arg5[%swap3A_809], %swap3A_812 {strides = array<i32>} : memref<100352xf32, #tpu.memory_space<vmem>>, vector<16xf32>,
        %mul3A_813 = arith.constant 128 : i32
        %mul3A_814 = arith.muli %shift_right_logical3A_644, %mul3A_813 : i32
        %get3A_815 = arith.index_cast %mul3A_814 : i32 to index
        %get3A_816 = tpu.vector_load %arg5[%get3A_815] {strides = array<i32>} : memref<100352xf32, #tpu.memory_space<vmem>>, vector<16xf32>,
        %get3A_817 = vector.shape_cast %get3A_816 : vector<16xf32> to vector<16xf32>
        %add3A_818 = arith.constant 16 : i32
        %add3A_819 = arith.addi %mul3A_814, %add3A_818 : i32
        %get3A_820 = arith.index_cast %add3A_819 : i32 to index
        %get3A_821 = tpu.vector_load %arg5[%get3A_820] {strides = array<i32>} : memref<100352xf32, #tpu.memory_space<vmem>>, vector<16xf32>,
        %get3A_822 = vector.shape_cast %get3A_821 : vector<16xf32> to vector<16xf32>
        %max3A_823 = arith.maximumf %get3A_817, %get3A_822 : vector<16xf32>
        %add3A_824 = arith.constant 32 : i32
        %add3A_825 = arith.addi %mul3A_814, %add3A_824 : i32
        %get3A_826 = arith.index_cast %add3A_825 : i32 to index
        %get3A_827 = tpu.vector_load %arg5[%get3A_826] {strides = array<i32>} : memref<100352xf32, #tpu.memory_space<vmem>>, vector<16xf32>,
        %get3A_828 = vector.shape_cast %get3A_827 : vector<16xf32> to vector<16xf32>
        %max3A_829 = arith.maximumf %max3A_823, %get3A_828 : vector<16xf32>
        %add3A_830 = arith.constant 48 : i32
        %add3A_831 = arith.addi %mul3A_814, %add3A_830 : i32
        %get3A_832 = arith.index_cast %add3A_831 : i32 to index
        %get3A_833 = tpu.vector_load %arg5[%get3A_832] {strides = array<i32>} : memref<100352xf32, #tpu.memory_space<vmem>>, vector<16xf32>,
        %get3A_834 = vector.shape_cast %get3A_833 : vector<16xf32> to vector<16xf32>
        %max3A_835 = arith.maximumf %max3A_829, %get3A_834 : vector<16xf32>
        %add3A_836 = arith.constant 64 : i32
        %add3A_837 = arith.addi %mul3A_814, %add3A_836 : i32
        %get3A_838 = arith.index_cast %add3A_837 : i32 to index
        %get3A_839 = tpu.vector_load %arg5[%get3A_838] {strides = array<i32>} : memref<100352xf32, #tpu.memory_space<vmem>>, vector<16xf32>,
        %get3A_840 = vector.shape_cast %get3A_839 : vector<16xf32> to vector<16xf32>
        %max3A_841 = arith.maximumf %max3A_835, %get3A_840 : vector<16xf32>
        %add3A_842 = arith.constant 80 : i32
        %add3A_843 = arith.addi %mul3A_814, %add3A_842 : i32
        %get3A_844 = arith.index_cast %add3A_843 : i32 to index
        %get3A_845 = tpu.vector_load %arg5[%get3A_844] {strides = array<i32>} : memref<100352xf32, #tpu.memory_space<vmem>>, vector<16xf32>,
        %get3A_846 = vector.shape_cast %get3A_845 : vector<16xf32> to vector<16xf32>
        %max3A_847 = arith.maximumf %max3A_841, %get3A_846 : vector<16xf32>
        %add3A_848 = arith.constant 96 : i32
        %add3A_849 = arith.addi %mul3A_814, %add3A_848 : i32
        %get3A_850 = arith.index_cast %add3A_849 : i32 to index
        %get3A_851 = tpu.vector_load %arg5[%get3A_850] {strides = array<i32>} : memref<100352xf32, #tpu.memory_space<vmem>>, vector<16xf32>,
        %get3A_852 = vector.shape_cast %get3A_851 : vector<16xf32> to vector<16xf32>
        %max3A_853 = arith.maximumf %max3A_847, %get3A_852 : vector<16xf32>
        %add3A_854 = arith.constant 112 : i32
        %add3A_855 = arith.addi %mul3A_814, %add3A_854 : i32
        %get3A_856 = arith.index_cast %add3A_855 : i32 to index
        %get3A_857 = tpu.vector_load %arg5[%get3A_856] {strides = array<i32>} : memref<100352xf32, #tpu.memory_space<vmem>>, vector<16xf32>,
        %get3A_858 = vector.shape_cast %get3A_857 : vector<16xf32> to vector<16xf32>
        %max3A_859 = arith.maximumf %max3A_853, %get3A_858 : vector<16xf32>
        %mul3A_860 = arith.constant 16 : i32
        %mul3A_861 = arith.muli %shift_right_logical3A_644, %mul3A_860 : i32
        %swap3A_862 = arith.index_cast %mul3A_861 : i32 to index
        %swap3A_863 = tpu.vector_load %arg6[%swap3A_862] {strides = array<i32>} : memref<12544xf32, #tpu.memory_space<vmem>>, vector<16xf32>,
        %swap3A_864 = vector.shape_cast %swap3A_863 : vector<16xf32> to vector<16xf32>
        %swap3A_865 = vector.shape_cast %max3A_859 : vector<16xf32> to vector<16xf32>
        tpu.vector_store %arg6[%swap3A_862], %swap3A_865 {strides = array<i32>} : memref<12544xf32, #tpu.memory_space<vmem>>, vector<16xf32>,
        %mul3A_866 = arith.constant 128 : i32
        %mul3A_867 = arith.muli %shift_right_logical3A_490, %mul3A_866 : i32
        %get3A_868 = arith.index_cast %mul3A_867 : i32 to index
        %get3A_869 = tpu.vector_load %arg6[%get3A_868] {strides = array<i32>} : memref<12544xf32, #tpu.memory_space<vmem>>, vector<16xf32>,
        %get3A_870 = vector.shape_cast %get3A_869 : vector<16xf32> to vector<16xf32>
        %add3A_871 = arith.constant 16 : i32
        %add3A_872 = arith.addi %mul3A_867, %add3A_871 : i32
        %get3A_873 = arith.index_cast %add3A_872 : i32 to index
        %get3A_874 = tpu.vector_load %arg6[%get3A_873] {strides = array<i32>} : memref<12544xf32, #tpu.memory_space<vmem>>, vector<16xf32>,
        %get3A_875 = vector.shape_cast %get3A_874 : vector<16xf32> to vector<16xf32>
        %max3A_876 = arith.maximumf %get3A_870, %get3A_875 : vector<16xf32>
        %add3A_877 = arith.constant 32 : i32
        %add3A_878 = arith.addi %mul3A_867, %add3A_877 : i32
        %get3A_879 = arith.index_cast %add3A_878 : i32 to index
        %get3A_880 = tpu.vector_load %arg6[%get3A_879] {strides = array<i32>} : memref<12544xf32, #tpu.memory_space<vmem>>, vector<16xf32>,
        %get3A_881 = vector.shape_cast %get3A_880 : vector<16xf32> to vector<16xf32>
        %max3A_882 = arith.maximumf %max3A_876, %get3A_881 : vector<16xf32>
        %add3A_883 = arith.constant 48 : i32
        %add3A_884 = arith.addi %mul3A_867, %add3A_883 : i32
        %get3A_885 = arith.index_cast %add3A_884 : i32 to index
        %get3A_886 = tpu.vector_load %arg6[%get3A_885] {strides = array<i32>} : memref<12544xf32, #tpu.memory_space<vmem>>, vector<16xf32>,
        %get3A_887 = vector.shape_cast %get3A_886 : vector<16xf32> to vector<16xf32>
        %max3A_888 = arith.maximumf %max3A_882, %get3A_887 : vector<16xf32>
        %add3A_889 = arith.constant 64 : i32
        %add3A_890 = arith.addi %mul3A_867, %add3A_889 : i32
        %get3A_891 = arith.index_cast %add3A_890 : i32 to index
        %get3A_892 = tpu.vector_load %arg6[%get3A_891] {strides = array<i32>} : memref<12544xf32, #tpu.memory_space<vmem>>, vector<16xf32>,
        %get3A_893 = vector.shape_cast %get3A_892 : vector<16xf32> to vector<16xf32>
        %max3A_894 = arith.maximumf %max3A_888, %get3A_893 : vector<16xf32>
        %add3A_895 = arith.constant 80 : i32
        %add3A_896 = arith.addi %mul3A_867, %add3A_895 : i32
        %get3A_897 = arith.index_cast %add3A_896 : i32 to index
        %get3A_898 = tpu.vector_load %arg6[%get3A_897] {strides = array<i32>} : memref<12544xf32, #tpu.memory_space<vmem>>, vector<16xf32>,
        %get3A_899 = vector.shape_cast %get3A_898 : vector<16xf32> to vector<16xf32>
        %max3A_900 = arith.maximumf %max3A_894, %get3A_899 : vector<16xf32>
        %add3A_901 = arith.constant 96 : i32
        %add3A_902 = arith.addi %mul3A_867, %add3A_901 : i32
        %get3A_903 = arith.index_cast %add3A_902 : i32 to index
        %get3A_904 = tpu.vector_load %arg6[%get3A_903] {strides = array<i32>} : memref<12544xf32, #tpu.memory_space<vmem>>, vector<16xf32>,
        %get3A_905 = vector.shape_cast %get3A_904 : vector<16xf32> to vector<16xf32>
        %max3A_906 = arith.maximumf %max3A_900, %get3A_905 : vector<16xf32>
        %add3A_907 = arith.constant 112 : i32
        %add3A_908 = arith.addi %mul3A_867, %add3A_907 : i32
        %get3A_909 = arith.index_cast %add3A_908 : i32 to index
        %get3A_910 = tpu.vector_load %arg6[%get3A_909] {strides = array<i32>} : memref<12544xf32, #tpu.memory_space<vmem>>, vector<16xf32>,
        %get3A_911 = vector.shape_cast %get3A_910 : vector<16xf32> to vector<16xf32>
        %max3A_912 = arith.maximumf %max3A_906, %get3A_911 : vector<16xf32>
        %mul3A_913 = arith.constant 16 : i32
        %mul3A_914 = arith.muli %shift_right_logical3A_490, %mul3A_913 : i32
        %swap3A_915 = arith.index_cast %mul3A_914 : i32 to index
        %swap3A_916 = tpu.vector_load %arg7[%swap3A_915] {strides = array<i32>} : memref<1664xf32, #tpu.memory_space<vmem>>, vector<16xf32>,
        %swap3A_917 = vector.shape_cast %swap3A_916 : vector<16xf32> to vector<16xf32>
        %swap3A_918 = vector.shape_cast %max3A_912 : vector<16xf32> to vector<16xf32>
        tpu.vector_store %arg7[%swap3A_915], %swap3A_918 {strides = array<i32>} : memref<1664xf32, #tpu.memory_space<vmem>>, vector<16xf32>,
        %mul3A_919 = arith.constant 128 : i32
        %mul3A_920 = arith.muli %shift_right_logical3A_336, %mul3A_919 : i32
        %get3A_921 = arith.index_cast %mul3A_920 : i32 to index
        %get3A_922 = tpu.vector_load %arg7[%get3A_921] {strides = array<i32>} : memref<1664xf32, #tpu.memory_space<vmem>>, vector<16xf32>,
        %get3A_923 = vector.shape_cast %get3A_922 : vector<16xf32> to vector<16xf32>
        %add3A_924 = arith.constant 16 : i32
        %add3A_925 = arith.addi %mul3A_920, %add3A_924 : i32
        %get3A_926 = arith.index_cast %add3A_925 : i32 to index
        %get3A_927 = tpu.vector_load %arg7[%get3A_926] {strides = array<i32>} : memref<1664xf32, #tpu.memory_space<vmem>>, vector<16xf32>,
        %get3A_928 = vector.shape_cast %get3A_927 : vector<16xf32> to vector<16xf32>
        %max3A_929 = arith.maximumf %get3A_923, %get3A_928 : vector<16xf32>
        %add3A_930 = arith.constant 32 : i32
        %add3A_931 = arith.addi %mul3A_920, %add3A_930 : i32
        %get3A_932 = arith.index_cast %add3A_931 : i32 to index
        %get3A_933 = tpu.vector_load %arg7[%get3A_932] {strides = array<i32>} : memref<1664xf32, #tpu.memory_space<vmem>>, vector<16xf32>,
        %get3A_934 = vector.shape_cast %get3A_933 : vector<16xf32> to vector<16xf32>
        %max3A_935 = arith.maximumf %max3A_929, %get3A_934 : vector<16xf32>
        %add3A_936 = arith.constant 48 : i32
        %add3A_937 = arith.addi %mul3A_920, %add3A_936 : i32
        %get3A_938 = arith.index_cast %add3A_937 : i32 to index
        %get3A_939 = tpu.vector_load %arg7[%get3A_938] {strides = array<i32>} : memref<1664xf32, #tpu.memory_space<vmem>>, vector<16xf32>,
        %get3A_940 = vector.shape_cast %get3A_939 : vector<16xf32> to vector<16xf32>
        %max3A_941 = arith.maximumf %max3A_935, %get3A_940 : vector<16xf32>
        %add3A_942 = arith.constant 64 : i32
        %add3A_943 = arith.addi %mul3A_920, %add3A_942 : i32
        %get3A_944 = arith.index_cast %add3A_943 : i32 to index
        %get3A_945 = tpu.vector_load %arg7[%get3A_944] {strides = array<i32>} : memref<1664xf32, #tpu.memory_space<vmem>>, vector<16xf32>,
        %get3A_946 = vector.shape_cast %get3A_945 : vector<16xf32> to vector<16xf32>
        %max3A_947 = arith.maximumf %max3A_941, %get3A_946 : vector<16xf32>
        %add3A_948 = arith.constant 80 : i32
        %add3A_949 = arith.addi %mul3A_920, %add3A_948 : i32
        %get3A_950 = arith.index_cast %add3A_949 : i32 to index
        %get3A_951 = tpu.vector_load %arg7[%get3A_950] {strides = array<i32>} : memref<1664xf32, #tpu.memory_space<vmem>>, vector<16xf32>,
        %get3A_952 = vector.shape_cast %get3A_951 : vector<16xf32> to vector<16xf32>
        %max3A_953 = arith.maximumf %max3A_947, %get3A_952 : vector<16xf32>
        %add3A_954 = arith.constant 96 : i32
        %add3A_955 = arith.addi %mul3A_920, %add3A_954 : i32
        %get3A_956 = arith.index_cast %add3A_955 : i32 to index
        %get3A_957 = tpu.vector_load %arg7[%get3A_956] {strides = array<i32>} : memref<1664xf32, #tpu.memory_space<vmem>>, vector<16xf32>,
        %get3A_958 = vector.shape_cast %get3A_957 : vector<16xf32> to vector<16xf32>
        %max3A_959 = arith.maximumf %max3A_953, %get3A_958 : vector<16xf32>
        %add3A_960 = arith.constant 112 : i32
        %add3A_961 = arith.addi %mul3A_920, %add3A_960 : i32
        %get3A_962 = arith.index_cast %add3A_961 : i32 to index
        %get3A_963 = tpu.vector_load %arg7[%get3A_962] {strides = array<i32>} : memref<1664xf32, #tpu.memory_space<vmem>>, vector<16xf32>,
        %get3A_964 = vector.shape_cast %get3A_963 : vector<16xf32> to vector<16xf32>
        %max3A_965 = arith.maximumf %max3A_959, %get3A_964 : vector<16xf32>
        %mul3A_966 = arith.constant 16 : i32
        %mul3A_967 = arith.muli %shift_right_logical3A_336, %mul3A_966 : i32
        %swap3A_968 = arith.index_cast %mul3A_967 : i32 to index
        %swap3A_969 = tpu.vector_load %arg8[%swap3A_968] {strides = array<i32>} : memref<208xf32, #tpu.memory_space<vmem>>, vector<16xf32>,
        %swap3A_970 = vector.shape_cast %swap3A_969 : vector<16xf32> to vector<16xf32>
        %swap3A_971 = vector.shape_cast %max3A_965 : vector<16xf32> to vector<16xf32>
        tpu.vector_store %arg8[%swap3A_968], %swap3A_971 {strides = array<i32>} : memref<208xf32, #tpu.memory_space<vmem>>, vector<16xf32>,
        %not3A_972 = arith.constant 15 : i32
        %not3A_973 = arith.constant -1 : i32
        %not3A_974 = arith.xori %not3A_972, %not3A_973 : i32
        %and3A_975 = arith.andi %scan3A_69, %not3A_974 : i32
        %and3A_976 = arith.constant 15 : i32
        %and3A_977 = arith.andi %scan3A_69, %and3A_976 : i32
        %get3A_978 = arith.index_cast %and3A_975 : i32 to index
        %get3A_979 = tpu.vector_load %arg9[%get3A_978] {strides = array<i32>} : memref<112xf32, #tpu.memory_space<vmem>>, vector<16xf32>,
        %get3A_980 = vector.shape_cast %get3A_979 : vector<16xf32> to vector<16xf32>
        %iota3A_981 = tpu.iota {dimensions = array<i32: 0>} : vector<16xi32>
        %eq3A_982 = vector.broadcast %and3A_977 : i32 to vector<16xi32>
        %eq3A_983 = arith.cmpi eq, %iota3A_981, %eq3A_982 : vector<16xi32>
        %broadcast_in_dim3A_984 = vector.broadcast %squeeze3A : f32 to vector<16xf32>
        %select_n3A_985 = arith.select %eq3A_983, %broadcast_in_dim3A_984, %get3A_980 : vector<16xi1>, vector<16xf32>
        %swap3A_986 = arith.index_cast %and3A_975 : i32 to index
        %swap3A_987 = tpu.vector_load %arg9[%swap3A_986] {strides = array<i32>} : memref<112xf32, #tpu.memory_space<vmem>>, vector<16xf32>,
        %swap3A_988 = vector.shape_cast %swap3A_987 : vector<16xf32> to vector<16xf32>
        %swap3A_989 = vector.shape_cast %select_n3A_985 : vector<16xf32> to vector<16xf32>
        tpu.vector_store %arg9[%swap3A_986], %swap3A_989 {strides = array<i32>} : memref<112xf32, #tpu.memory_space<vmem>>, vector<16xf32>,
        %get3A_990 = arith.index_cast %and3A_975 : i32 to index
        %get3A_991 = tpu.vector_load %arg10[%get3A_990] {strides = array<i32>} : memref<112xi32, #tpu.memory_space<vmem>>, vector<16xi32>,
        %get3A_992 = vector.shape_cast %get3A_991 : vector<16xi32> to vector<16xi32>
        %iota3A_993 = tpu.iota {dimensions = array<i32: 0>} : vector<16xi32>
        %eq3A_994 = vector.broadcast %and3A_977 : i32 to vector<16xi32>
        %eq3A_995 = arith.cmpi eq, %iota3A_993, %eq3A_994 : vector<16xi32>
        %broadcast_in_dim3A_996 = vector.broadcast %add3A_796 : i32 to vector<16xi32>
        %select_n3A_997 = arith.select %eq3A_995, %broadcast_in_dim3A_996, %get3A_992 : vector<16xi1>, vector<16xi32>
        %swap3A_998 = arith.index_cast %and3A_975 : i32 to index
        %swap3A_999 = tpu.vector_load %arg10[%swap3A_998] {strides = array<i32>} : memref<112xi32, #tpu.memory_space<vmem>>, vector<16xi32>,
        %swap3A_1000 = vector.shape_cast %swap3A_999 : vector<16xi32> to vector<16xi32>
        %swap3A_1001 = vector.shape_cast %select_n3A_997 : vector<16xi32> to vector<16xi32>
        tpu.vector_store %arg10[%swap3A_998], %swap3A_1001 {strides = array<i32>} : memref<112xi32, #tpu.memory_space<vmem>>, vector<16xi32>,
      }
      %scan3A_68 = arith.constant 112 : i32
      "tpu.region"() ({
        %run_scoped3A = tpu.sem_alloc : memref<!tpu.dma_semaphore, #tpu.memory_space<semaphore_mem>>
        %dma_start3A = arith.constant 0 : i32
        %dma_start3A_69 = tpu.memref_slice %arg3[%add3A_44, %dma_start3A] : memref<1024x112xf32, #tpu.memory_space<hbm>> -> memref<1x112xf32, #tpu.memory_space<hbm>>
        %dma_start3A_70 = tpu.memref_squeeze %dma_start3A_69 : memref<1x112xf32, #tpu.memory_space<hbm>> -> memref<112xf32, #tpu.memory_space<hbm>>
        %dma_start3A_71 = arith.constant 0 : i32
        %dma_start3A_72 = tpu.memref_slice %arg3[%add3A_44, %dma_start3A_71] : memref<1024x112xf32, #tpu.memory_space<hbm>> -> memref<1x112xf32, #tpu.memory_space<hbm>>
        %dma_start3A_73 = tpu.memref_squeeze %dma_start3A_72 : memref<1x112xf32, #tpu.memory_space<hbm>> -> memref<112xf32, #tpu.memory_space<hbm>>
        tpu.enqueue_dma source(%arg9 : memref<112xf32, #tpu.memory_space<vmem>>) target(%dma_start3A_73 : memref<112xf32, #tpu.memory_space<hbm>>) target_semaphore(%run_scoped3A : memref<!tpu.dma_semaphore, #tpu.memory_space<semaphore_mem>>)
        %dma_wait3A = arith.constant 0 : i32
        %dma_wait3A_74 = tpu.memref_slice %arg3[%add3A_44, %dma_wait3A] : memref<1024x112xf32, #tpu.memory_space<hbm>> -> memref<1x112xf32, #tpu.memory_space<hbm>>
        %dma_wait3A_75 = tpu.memref_squeeze %dma_wait3A_74 : memref<1x112xf32, #tpu.memory_space<hbm>> -> memref<112xf32, #tpu.memory_space<hbm>>
        %dma_wait3A_76 = arith.constant 0 : i32
        %dma_wait3A_77 = tpu.memref_slice %arg3[%add3A_44, %dma_wait3A_76] : memref<1024x112xf32, #tpu.memory_space<hbm>> -> memref<1x112xf32, #tpu.memory_space<hbm>>
        %dma_wait3A_78 = tpu.memref_squeeze %dma_wait3A_77 : memref<1x112xf32, #tpu.memory_space<hbm>> -> memref<112xf32, #tpu.memory_space<hbm>>
        tpu.wait_dma2 semaphore(%run_scoped3A : memref<!tpu.dma_semaphore, #tpu.memory_space<semaphore_mem>>) src(%arg9 : memref<112xf32, #tpu.memory_space<vmem>>) dst(%dma_wait3A_78 : memref<112xf32, #tpu.memory_space<hbm>>)
        tpu.yield
      }) : () -> ()
      "tpu.region"() ({
        %run_scoped3A = tpu.sem_alloc : memref<!tpu.dma_semaphore, #tpu.memory_space<semaphore_mem>>
        %dma_start3A = arith.constant 0 : i32
        %dma_start3A_69 = tpu.memref_slice %arg4[%add3A_44, %dma_start3A] : memref<1024x112xi32, #tpu.memory_space<hbm>> -> memref<1x112xi32, #tpu.memory_space<hbm>>
        %dma_start3A_70 = tpu.memref_squeeze %dma_start3A_69 : memref<1x112xi32, #tpu.memory_space<hbm>> -> memref<112xi32, #tpu.memory_space<hbm>>
        %dma_start3A_71 = arith.constant 0 : i32
        %dma_start3A_72 = tpu.memref_slice %arg4[%add3A_44, %dma_start3A_71] : memref<1024x112xi32, #tpu.memory_space<hbm>> -> memref<1x112xi32, #tpu.memory_space<hbm>>
        %dma_start3A_73 = tpu.memref_squeeze %dma_start3A_72 : memref<1x112xi32, #tpu.memory_space<hbm>> -> memref<112xi32, #tpu.memory_space<hbm>>
        tpu.enqueue_dma source(%arg10 : memref<112xi32, #tpu.memory_space<vmem>>) target(%dma_start3A_73 : memref<112xi32, #tpu.memory_space<hbm>>) target_semaphore(%run_scoped3A : memref<!tpu.dma_semaphore, #tpu.memory_space<semaphore_mem>>)
        %dma_wait3A = arith.constant 0 : i32
        %dma_wait3A_74 = tpu.memref_slice %arg4[%add3A_44, %dma_wait3A] : memref<1024x112xi32, #tpu.memory_space<hbm>> -> memref<1x112xi32, #tpu.memory_space<hbm>>
        %dma_wait3A_75 = tpu.memref_squeeze %dma_wait3A_74 : memref<1x112xi32, #tpu.memory_space<hbm>> -> memref<112xi32, #tpu.memory_space<hbm>>
        %dma_wait3A_76 = arith.constant 0 : i32
        %dma_wait3A_77 = tpu.memref_slice %arg4[%add3A_44, %dma_wait3A_76] : memref<1024x112xi32, #tpu.memory_space<hbm>> -> memref<1x112xi32, #tpu.memory_space<hbm>>
        %dma_wait3A_78 = tpu.memref_squeeze %dma_wait3A_77 : memref<1x112xi32, #tpu.memory_space<hbm>> -> memref<112xi32, #tpu.memory_space<hbm>>
        tpu.wait_dma2 semaphore(%run_scoped3A : memref<!tpu.dma_semaphore, #tpu.memory_space<semaphore_mem>>) src(%arg10 : memref<112xi32, #tpu.memory_space<vmem>>) dst(%dma_wait3A_78 : memref<112xi32, #tpu.memory_space<hbm>>)
        tpu.yield
      }) : () -> ()
    }
    %scan3A_42 = arith.constant 32 : i32
    return
  }
}

module attributes {stable_mosaic.version = 14 : i64} {
  func.func @_score_kernel(%arg0: i32, %arg1: i32, %arg2: memref<256x16xf32, #tpu.memory_space<vmem>>, %arg3: memref<2048x16xf32, #tpu.memory_space<vmem>>, %arg4: memref<256x2048xf32, #tpu.memory_space<vmem>>) attributes {dimension_semantics = [#tpu.dimension_semantics<arbitrary>, #tpu.dimension_semantics<arbitrary>], iteration_bounds = array<i64: 4, 49>, scalar_prefetch = 0 : i64, scratch_operands = 0 : i64, tpu.core_type = #tpu.core_type<tc>, window_params = [{transform_indices = @transform_0, window_bounds = array<i64: 256, 16>}, {transform_indices = @transform_1, window_bounds = array<i64: 2048, 16>}, {transform_indices = @transform_2, window_bounds = array<i64: 256, 2048>}]} {
    %get3A = arith.constant 0 : index
    %get3A_0 = arith.constant 0 : index
    %get3A_1 = vector.load %arg2[%get3A, %get3A_0] : memref<256x16xf32, #tpu.memory_space<vmem>>, vector<256x16xf32>
    %get3A_2 = arith.constant 0 : index
    %get3A_3 = arith.constant 0 : index
    %get3A_4 = vector.load %arg3[%get3A_2, %get3A_3] : memref<2048x16xf32, #tpu.memory_space<vmem>>, vector<2048x16xf32>
    %dot_general3A = arith.constant dense<0.000000e+00> : vector<256x2048xf32>
    %dot_general3A_5 = tpu.matmul %get3A_1, %get3A_4, %dot_general3A {dimension_numbers = #tpu.dot_dimension_numbers<[1], [1], [0], [0], [0, 0, 1, 0], [], []>, transpose_lhs_hint = false} : vector<256x16xf32>, vector<2048x16xf32>, vector<256x2048xf32> -> vector<256x2048xf32>
    %mul3A = arith.constant 2048 : i32
    %mul3A_6 = arith.muli %arg1, %mul3A : i32
    %iota3A = tpu.iota {dimensions = array<i32: 1>} : vector<256x2048xi32>
    %add3A = vector.broadcast %mul3A_6 : i32 to vector<256x2048xi32>
    %add3A_7 = arith.addi %add3A, %iota3A : vector<256x2048xi32>
    %lt3A = arith.constant 100000 : i32
    %lt3A_8 = vector.broadcast %lt3A : i32 to vector<256x2048xi32>
    %lt3A_9 = arith.cmpi slt, %add3A_7, %lt3A_8 : vector<256x2048xi32>
    %jit3A = arith.constant -3.000000e+38 : f32
    %broadcast_in_dim3A = vector.broadcast %jit3A : f32 to vector<256x2048xf32>
    %select_n3A = arith.select %lt3A_9, %dot_general3A_5, %broadcast_in_dim3A : vector<256x2048xi1>, vector<256x2048xf32>
    %swap3A = arith.constant 0 : index
    %swap3A_10 = arith.constant 0 : index
    %swap3A_11 = vector.load %arg4[%swap3A, %swap3A_10] : memref<256x2048xf32, #tpu.memory_space<vmem>>, vector<256x2048xf32>
    tpu.vector_store %arg4[%swap3A, %swap3A_10], %select_n3A {strides = array<i32>} : memref<256x2048xf32, #tpu.memory_space<vmem>>, vector<256x2048xf32>,
    return
  }
  func.func @transform_0(%arg0: i32, %arg1: i32) -> (i32, i32) {
    %c0_i32 = arith.constant 0 : i32
    %c0_i32_0 = arith.constant 0 : i32
    return %arg0, %c0_i32 : i32, i32
  }
  func.func @transform_1(%arg0: i32, %arg1: i32) -> (i32, i32) {
    %c0_i32 = arith.constant 0 : i32
    %c0_i32_0 = arith.constant 0 : i32
    return %arg1, %c0_i32 : i32, i32
  }
  func.func @transform_2(%arg0: i32, %arg1: i32) -> (i32, i32) {
    %c0_i32 = arith.constant 0 : i32
    return %arg0, %arg1 : i32, i32
  }
}

</mosaic_0001>

<sc_bundles>
// kernel: kernel.4.cloned.1.call-start
scs
__scs_entry_jumppad:
0x0: {  	(pc) =	sbr.rel $0x88, $3  }
0x1: {  	(tag) =	ssettag $0x0;
	lr =	simm.s32 $0x1  }
0x2: {  	[smem:$0x3F9F] =	sst lr;
	_ =	strace $0xD0000000  }
0x3: {  	_ = 	snop  }
0x4: {  	_ = 	snop  }
0x5: {  	_ = 	snop  }
0x6: {  	_ = 	snop  }
0x7: {  	_ = 	snop  }
__scs_overlays_trampoline_lowered:
0x8: {  	[smem:$0x3FAE] =	sst s0  }
0x9: {  	[smem:$0x3FAF] =	sst s1  }
0xa: {  	[smem:$0x3FB0] =	sst s2  }
0xb: {  	[smem:$0x3FB1] =	sst s3  }
0xc: {  	[smem:$0x3FB2] =	sst s4  }
0xd: {  	[smem:$0x3FB3] =	sst s5  }
0xe: {  	[smem:$0x3FB4] =	sst s6  }
0xf: {  	[smem:$0x3FB5] =	sst s7  }
0x10: {  	[smem:$0x3FB6] =	sst s8  }
0x11: {  	[smem:$0x3FB7] =	sst s9;
	s0 =	simm.s32 @!p0 $0x0  }
0x12: {  	s1 =	sld [smem:$0x3F9D];
	s0 =	simm.s32 @p0 $0x1  }
0x13: {  	[smem:$0x3FB8] =	sst s0;
	s0 =	simm.s32 @!p1 $0x0  }
0x14: {  	s2 =	sld [smem:$0x3F9C];
	s0 =	simm.s32 @p1 $0x1  }
0x15: {  	[smem:$0x3FB9] =	sst s0;
	s0 =	simm.s32 @!p2 $0x0  }
0x16: {  	s3 =	sld [smem:$0x3FDB];
	s0 =	simm.s32 @p2 $0x1  }
0x17: {  	s4 =	simm.s32 $0x1BF5;
	[smem:$0x3FBB] =	sst s0  }
0x18: {  	s0 =	sld [smem:$0x3F9E];
	_ =	swait.ge [sflag:s4], $0x0  }
0x19: {  	s7 =	sld [smem:$0x3F9F]  }
0x1a: {  	s8 =	sadd.s32 $0xFFFFE003, lr  }
0x1b: {  	s9 =	sadd.s32 $0xFFFFFEF7, lr;
	s5 =	simm.s32 $0xFFFFFFFF;
	p2 =	slt.u32 s8, $0xFFFFF086  }
0x1c: {  	p1 =	slt.u32 s9, $0xF7A;
	s5 =	simm.s32 @!p2 $0x0  }
0x1d: {  	s5 =	simm.s32 @p1 $0x1;
	p0 =	seq.s32 s7, s2  }
0x1e: {  	s7 =	smul.u32 @!p0 $0xF7A, s2;
	p2 =	seq.s32 @!p0 s5, $0x0  }
0x1f: {  	s9 =	smul.u32 $0xF7A, s1;
	s8 =	simm.s32 @!p0 $0x1BF5;
	p2 =	por !p2, p0  }
0x20: {  	[sflag:s8] =	ssyncset.s32 @!p0 $0xFFFFF086;
	s6 =	sadd.s32 @!p0 s3, s7;
	s7 =	simm.s32 @!p0 $0x108  }
0x21: {  	s3 =	sadd.s32 s3, s9;
	s6 =	sadd.s32 @!p0 $0x88, s6;
	s7 =	simm.s32 @p2 $0x1082  }
0x22: {  	[simem:s7], [sflag:s8] =	dma.local @!p0 [hbm:s6], $0xF7A  }
0x23: {  	s9 =	sor.u32 $0xD0000000, s2;
	s6 =	simm.s32 $0x108;
	_ =	swait.ge @!p0 [sflag:s8], $0x0  }
0x24: {  	s3 =	sadd.s32 $0x88, s3;
	s6 =	simm.s32 @!p1 $0x1082;
	[sflag:s4] =	ssyncset.s32 $0xFFFFF086  }
0x25: {  	[simem:s6], [sflag:s4] =	dma.local [hbm:s3], $0xF7A  }
0x26: {  	[smem:$0x3F9F] =	sst s1;
	(tag) =	ssettag s2;
	_ =	strace s9  }
0x27: {  	s1 =	sld [smem:$0x3FAF]  }
0x28: {  	s2 =	sld [smem:$0x3FB0]  }
0x29: {  	s4 =	sld [smem:$0x3FB2]  }
0x2a: {  	p0 =	seq.s32 s5, $0x0;
	s5 =	sld [smem:$0x3FB3]  }
0x2b: {  	s6 =	sld [smem:$0x3FB4]  }
0x2c: {  	s7 =	sld [smem:$0x3FB5]  }
0x2d: {  	s3 =	simm.s32 $0x108;
	s8 =	sld [smem:$0x3FB6]  }
0x2e: {  	s3 =	simm.s32 @!p0 $0x1082;
	s9 =	sld [smem:$0x3FB7]  }
0x2f: {  	lr =	sadd.s32 s0, s3;
	s0 =	sld [smem:$0x3FAE]  }
0x30: {  	s3 =	sld [smem:$0x3FB1]  }
0x31: {  	[smem:$0x3FBA] =	sst s10  }
0x32: {  	s10 =	sld [smem:$0x3FB8];
	_ =	sdelay $0x3  }
0x33: {  	p0 =	seq.s32 s10, $0x1;
	s10 =	sld [smem:$0x3FBA];
	_ =	sdelay $0x3  }
0x34: {  	[smem:$0x3FBA] =	sst s10  }
0x35: {  	s10 =	sld [smem:$0x3FB9];
	_ =	sdelay $0x3  }
0x36: {  	p1 =	seq.s32 s10, $0x1;
	s10 =	sld [smem:$0x3FBA];
	_ =	sdelay $0x3  }
0x37: {  	[smem:$0x3FBA] =	sst s10  }
0x38: {  	s10 =	sld [smem:$0x3FBB]  }
0x39: {  	_ = 	snop;
	(pc) =	sbr.ind lr, $3  }
0x3a: {  	_ = 	snop  }
0x3b: {  	_ = 	snop  }
0x3c: {  	p2 =	seq.s32 s10, $0x1;
	s10 =	sld [smem:$0x3FBA]  }
0x3d: {  	_ =	shalt  }
0x3e: {  	_ =	shalt  }
0x3f: {  	_ =	shalt  }
0x40: {  	_ =	shalt  }
0x41: {  	_ =	shalt  }
0x42: {  	_ =	shalt  }
0x43: {  	_ =	shalt  }
0x44: {  	_ =	shalt  }
0x45: {  	_ =	shalt  }
0x46: {  	_ =	shalt  }
0x47: {  	_ =	shalt  }
0x48: {  	_ =	shalt  }
0x49: {  	_ =	shalt  }
0x4a: {  	_ =	shalt  }
0x4b: {  	_ =	shalt  }
0x4c: {  	_ =	shalt  }
0x4d: {  	_ =	shalt  }
0x4e: {  	_ =	shalt  }
0x4f: {  	_ =	shalt  }
0x50: {  	_ =	shalt  }
0x51: {  	_ =	shalt  }
0x52: {  	_ =	shalt  }
0x53: {  	_ =	shalt  }
0x54: {  	_ =	shalt  }
0x55: {  	_ =	shalt  }
0x56: {  	_ =	shalt  }
0x57: {  	_ =	shalt  }
0x58: {  	_ =	shalt  }
0x59: {  	_ =	shalt  }
0x5a: {  	_ =	shalt  }
0x5b: {  	_ =	shalt  }
0x5c: {  	_ =	shalt  }
0x5d: {  	_ =	shalt  }
0x5e: {  	_ =	shalt  }
0x5f: {  	_ =	shalt  }
0x60: {  	_ =	shalt  }
0x61: {  	_ =	shalt  }
0x62: {  	_ =	shalt  }
0x63: {  	_ =	shalt  }
0x64: {  	_ =	shalt  }
0x65: {  	_ =	shalt  }
0x66: {  	_ =	shalt  }
0x67: {  	_ =	shalt  }
0x68: {  	_ =	shalt  }
0x69: {  	_ =	shalt  }
0x6a: {  	_ =	shalt  }
0x6b: {  	_ =	shalt  }
0x6c: {  	_ =	shalt  }
0x6d: {  	_ =	shalt  }
0x6e: {  	_ =	shalt  }
0x6f: {  	_ =	shalt  }
0x70: {  	_ =	shalt  }
0x71: {  	_ =	shalt  }
0x72: {  	_ =	shalt  }
0x73: {  	_ =	shalt  }
0x74: {  	_ =	shalt  }
0x75: {  	_ =	shalt  }
0x76: {  	_ =	shalt  }
0x77: {  	_ =	shalt  }
0x78: {  	_ =	shalt  }
0x79: {  	_ =	shalt  }
0x7a: {  	_ =	shalt  }
0x7b: {  	_ =	shalt  }
0x7c: {  	_ =	shalt  }
0x7d: {  	_ =	shalt  }
0x7e: {  	_ =	shalt  }
0x7f: {  	_ =	shalt  }
0x80: {  	_ =	shalt  }
0x81: {  	_ =	shalt  }
0x82: {  	_ =	shalt  }
0x83: {  	_ =	shalt  }
0x84: {  	_ =	shalt  }
0x85: {  	_ =	shalt  }
0x86: {  	_ =	shalt  }
0x87: {  	_ =	shalt  }
.Lfunc_end0:
.L_simem_size_0:
called_computation_lowered:
.L_overlay_start_0:
0x88: {  	s2 =	sld [smem:$0x3FD9]  }
0x89: {  	s3 =	sld [smem:$0x3FFE];
	_ =	sdelay $0x1  }
0x8a: {  	s1 =	srdreg.scid  }
0x8b: {  	s0 =	sand.u32 $0x1, s1  }
0x8c: {  	s16 =	sshll.u32 s0, $0xA;
	s2 =	sadd.s32 s3, s2  }
0x8d: {  	s2 =	sadd.s32 s2, s16  }
0x8e: {  	[smem:$0x3FC6] =	sst s2  }
0x8f: {  	_ = 	snop  }
0x90: {  	(tm) =	ssettm $0x1  }
0x91: {  	s17 =	sld [smem:$0x3FFB];
	_ =	sdelay $0x3  }
0x92: {  	_ =	strace s17  }
0x93: {  	s2 =	sld [smem:$0x3FFC];
	_ =	sdelay $0x3  }
0x94: {  	_ =	strace s2  }
0x95: {  	s2 =	sld [smem:$0x3FFD];
	_ =	sdelay $0x3  }
0x96: {  	_ =	strace s2  }
0x97: {  	_ =	strace $0x8FFFFFFF  }
0x98: {  	s18 =	sld [smem:$0x3FDB];
	_ =	sdelay $0x1  }
0x99: {  	s19 =	simm.s32 $_scs_section_size  }
0x9a: {  	s4 =	simm.s32 $_size__tile_overlayer_lowered;
	s5 =	simm.s32 $_tile_overlayer_lowered  }
0x9b: {  	s22 =	simm.s32 $0x1BFF;
	s21 =	sshll.u32 s5, $0x1;
	s2 =	sadd.s32 s19, s18  }
0x9c: {  	s6 =	simm.s32 $0x0;
	s20 =	sshll.u32 s4, $0x1;
	s4 =	sadd.s32 s21, s2  }
0x9d: {  	[timem:s6], [sflag:s22] =	dma.local [hbm:s4], s20  }
0x9e: {  	_ =	swait.ge [sflag:s22], s20  }
0x9f: {  	s3 =	ssub.s32 $0x0, s20;
	[sflag:s22] =	ssyncset.done $0x0  }
0xa0: {  	[sflag:s22] =	ssyncadd.s32 s3;
	_ =	sdelay $0x1  }
0xa1: {  	s23 =	simm.s32 $0x1B8B  }
0xa2: {  	_ =	swait.ge [sflag:s23], $0x1  }
0xa3: {  	[sflag:s23] =	ssyncset.done $0x0  }
0xa4: {  	s25 =	simm.s32 $0x1B8E;
	s24 =	sld [smem:$0x3FFE];
	[sflag:s23] =	ssyncadd.s32 $0xFFFFFFFF  }
0xa5: {  	s26 =	simm.s32 $execute0_lowered;
	[smem:$0x3FD2] =	sst s25  }
0xa6: {  	s4 =	sshll.u32 s26, $0x1;
	_ =	strace $0x80000046;
	[dreg:$0x1] =	wrdreg $0xFFFFFFFF  }
0xa7: {  	s28 =	simm.s32 $_size_execute0_lowered;
	s2 =	sadd.s32 s2, s4;
	[dreg:$0x0] =	wrdreg $0x0  }
0xa8: {  	s4 =	sshll.u32 s28, $0x1;
	[dreg:$0x2] =	wrdreg s2  }
0xa9: {  	[dreg:$0x3] =	wrdreg s4  }
0xaa: {  	[dreg:$0x4] =	wrdreg $0xC0  }
0xab: {  	_ =	task [dreg:s6], $0x5FFFF  }
0xac: {  	[dreg:$0x1] =	wrdreg $0xFFFFFFFF  }
0xad: {  	[dreg:$0x0] =	wrdreg $0x60  }
0xae: {  	[dreg:$0x2] =	wrdreg s24  }
0xaf: {  	[dreg:$0x3] =	wrdreg $0x9  }
0xb0: {  	_ =	task.clear_ibuf [dreg:s6], $0x4FFFF;
	_ =	strace $0x90000046  }
0xb1: {  	s29 =	simm.s32 $0x9;
	_ =	strace $0x80000048  }
0xb2: {  	_ =	swait.ge [sflag:s29], $0x1  }
0xb3: {  	[sflag:s29] =	ssyncadd.s32 $0xFFFFFFFF  }
0xb4: {  	_ =	strace $0x90000048  }
0xb5: {  	_ =	sfence  }
0xb6: {  	s30 =	sld [smem:$0x0];
	_ =	sdelay $0x2  }
0xb7: {  	s31 =	sshll.u32 s1, $0xD;
	s1 =	sshrl.u32 s1, $0x2  }
0xb8: {  	s3 =	sand.u32 $0x4000, s31;
	s1 =	sadd.s32 s1, s30  }
0xb9: {  	s0 =	sor.u32 s3, s0;
	s1 =	sshll.u32 s1, $0x11  }
0xba: {  	s0 =	sor.u32 s1, s0  }
0xbb: {  	s0 =	sadd.s32 $0x8F2B, s0  }
0xbc: {  	[sflag:s0] =	ssyncadd.remote.s32 $0x1  }
0xbd: {  	_ =	sfence.sel $0xFFFF  }
0xbe: {  	[dreg:$0x0] =	wrdreg $0xFFFFFFFF;
	(pc) =	sbr.abs _section_cstart, $3  }
0xbf: {  	[dreg:$0x1] =	wrdreg $0xFFFFFFFF  }
0xc0: {  	_ =	task.clear_ibuf [dreg:s6], $0x2FFFF;
	_ =	strace $0x9FFFFFFF  }
0xc1: {  	(tm) =	ssettm $0x7FFFFFFF  }
tec
execute0_lowered:
.L_overlay_start_1:
0x0: {  	(tag) =	ssettag $0x1  }
0x1: {  	v0 =	vimm.s32 $0xFEDCBA98;
	v1 =	vimm.s32 $0x76543210  }
0x2: {  	v2 =	vimm.s32 $0xBA98FEDC;
	v3 =	vimm.s32 $0x32107654;
	v4 =	vimm.s32 $0xDCFE98BA  }
0x3: {  	v5 =	vimm.s32 $0x54761032;
	v6 =	vimm.s32 $0xEFCDAB89;
	v7 =	vimm.s32 $0x67452301  }
0x4: {  	v0 =	vunpack.c.l.s4.s8 v0;
	v1 =	vunpack.c.l.s4.s8 v1;
	v2 =	vunpack.c.l.s4.s8 v2  }
0x5: {  	v3 =	vunpack.c.l.s4.s8 v3;
	v4 =	vunpack.c.l.s4.s8 v4;
	v5 =	vunpack.c.l.s4.s8 v5  }
0x6: {  	v6 =	vunpack.c.l.s4.s8 v6;
	v7 =	vunpack.c.l.s4.s8 v7;
	v0 =	vunpack.c.0.s8.s32 v0  }
0x7: {  	v2 =	vunpack.c.0.s8.s32 v2;
	v3 =	vunpack.c.0.s8.s32 v3;
	v4 =	vunpack.c.0.s8.s32 v4  }
0x8: {  	s5 =	rddreg [dreg:$0x0];
	v5 =	vunpack.c.0.s8.s32 v5;
	v6 =	vunpack.c.0.s8.s32 v6;
	v7 =	vunpack.c.0.s8.s32 v7  }
0x9: {  	s0 =	rddreg [dreg:$0x1];
	s1 =	simm.s32 $0x0;
	v1 =	vunpack.c.0.s8.s32 v1;
	v2 =	vcombine.low v3, v2  }
0xa: {  	s2 =	srdreg.scid;
	s3 =	stileid.u32;
	s9 =	simm.s32 $0x400;
	v3 =	vand.u32 $0xF, v0;
	v4 =	vcombine.low v5, v4;
	v5 =	vcombine.low v7, v6  }
0xb: {  	s10 =	simm.s32 $0x1;
	s11 =	simm.s32 $0x1C080;
	s12 =	simm.s32 $0x1C100;
	v0 =	vimm.f32 $-3.000000010e+38;
	v1 =	vcombine.low v3, v1;
	v2 =	vand.u32 $0xF, v2  }
0xc: {  	s13 =	simm.s32 $0x0;
	[smem:$0x7FF] =	sst s1;
	s6 =	sand.u32 $0x1, s2;
	v3 =	vand.u32 $0xF, v4;
	v4 =	vand.u32 $0xF, v5;
	v5 =	vlaneseq.u32  }
0xd: {  	s2 =	sadd.s32 $0x30F200, s5;
	s4 =	sadd.s32 $0x800, s5;
	s7 =	ssub.s32 $0x2, s6;
	v6 =	vor.u32 $0xC0, v5;
	v7 =	vor.u32 $0xB0, v5;
	v8 =	vor.u32 $0xA0, v5  }
0xe: {  	s31 =	sshll.u32 s3, $0x6;
	s5 =	sadd.s32 $0x4800, s5;
	s8 =	sshrl.u32 s7, $0x1;
	v9 =	vor.u32 $0x90, v5;
	v10 =	vor.u32 $0x80, v5;
	v11 =	vor.u32 $0x70, v5  }
0xf: {  	_ =	strace $0x80000047;
	s6 =	sshll.u32 s6, $0x5;
	s7 =	ssub.s32 s7, s8;
	v12 =	vor.u32 $0x60, v5;
	v13 =	vor.u32 $0x50, v5;
	v14 =	vor.u32 $0x40, v5  }
0x10: {  	s6 =	sor.u32 s6, s31;
	s8 =	simm.s32 $0x80;
	s7 =	smax.u32 s7, $0x1;
	v15 =	vor.u32 $0x30, v5;
	v16 =	vor.u32 $0x20, v5;
	v17 =	vor.u32 $0x10, v5  }
.LBB2_1:
0x11: {  	[tilespmem:$0x1BF20] =	vst v0  }
0x12: {  	[tilespmem:$0x1BF30] =	vst v0  }
0x13: {  	[tilespmem:$0x1BF40] =	vst v0  }
0x14: {  	[tilespmem:$0x1BF50] =	vst v0  }
0x15: {  	[tilespmem:$0x1BF60] =	vst v0  }
0x16: {  	[tilespmem:$0x1BF70] =	vst v0;
	s14 =	simm.s32 $0x0  }
.LBB2_2:
0x17: {  	s15 =	sadd.s32 s6, s14  }
0x18: {  	s15 =	sshrl.u32 s15, $0x3  }
0x19: {  	s16 =	sshll.u32 s14, $0x7;
	s17 =	smul.u32 $0xC4000, s15  }
0x1a: {  	s16 =	sand.u32 $0x380, s16  }
0x1b: {  	s17 =	sor.u32 s16, s17  }
0x1c: {  	s17 =	sshrl.u32 s17, $0x3  }
0x1d: {  	s18 =	sadd.s32 s2, s17;
	s17 =	simm.s32 $0x0  }
0x1e: {  	[tilespmem:s17], [sflag:$0x1] =	stream.strided.gather [hbm4b:s18+s8], $0x18800, s9, s8, $0x38;
	[tilespmem:$0x1C180] =	vst v63  }
0x1f: {  	_ =	swait.ge [sflag:s10], $0x18800  }
0x20: {  	[sflag:s10] =	ssyncset.done $0x0  }
0x21: {  	s19 =	simm.s32 $0x40;
	[sflag:s10] =	ssyncadd.s32 $0xFFFE7800  }
0x22: {  	v18 =	vld [tilespmem:s19+$0xFFFFFFD0]  }
0x23: {  	s20 =	simm.s32 $0x40;
	s18 =	simm.s32 $0x0;
	v19 =	vld [tilespmem:s19+$0xFFFFFFC0]  }
.LBB2_3:
0x24: {  	p0 =	sne.s32 s20, $0xC3C0;
	v20 =	vld [tilespmem:s19+$0xFFFFFFE0]  }
0x25: {  	v21 =	vld [tilespmem:s19+$0xFFFFFFF0]  }
0x26: {  	v22 =	vld [tilespmem:s19+$0x0]  }
0x27: {  	v23 =	vld [tilespmem:s19+$0x10]  }
0x28: {  	v18 =	vmax.f32 v19, v18;
	v19 =	vld [tilespmem:s19+$0x20]  }
0x29: {  	v18 =	vmax.f32 v18, v20;
	v20 =	vld [tilespmem:s19+$0x30]  }
0x2a: {  	v18 =	vmax.f32 v18, v21  }
0x2b: {  	v18 =	vmax.f32 v18, v22  }
0x2c: {  	v18 =	vmax.f32 v18, v23  }
.Ltmp0:
0x2d: {  	v18 =	vmax.f32 v18, v19;
	(pc) =	sbr.rel @p0 .LBB2_3-.Ltmp0, $4  }
0x2e: {  	s21 =	sshra.s32 s18, $0x2;
	s18 =	smov.u32 s20;
	v18 =	vmax.f32 v18, v20  }
0x2f: {  	s19 =	sadd.s32 $0x80, s19;
	[tilespmem:s21+$0x18800] =	vst v18  }
0x30: {  	v18 =	vld [tilespmem:s19+$0xFFFFFFD0]  }
0x31: {  	s20 =	sadd.s32 $0x40, s20;
	v19 =	vld [tilespmem:s19+$0xFFFFFFC0]  }
0x32: {  	v20 =	vld [tilespmem:s19+$0xFFFFFFE0]  }
0x33: {  	v21 =	vld [tilespmem:s19+$0xFFFFFFF0]  }
0x34: {  	v22 =	vld [tilespmem:s19+$0x0]  }
0x35: {  	v23 =	vld [tilespmem:s19+$0x10]  }
0x36: {  	v18 =	vmax.f32 v19, v18;
	v19 =	vld [tilespmem:s19+$0x20]  }
0x37: {  	v18 =	vmax.f32 v18, v20;
	v20 =	vld [tilespmem:s19+$0x30]  }
0x38: {  	v18 =	vmax.f32 v18, v21  }
0x39: {  	v18 =	vmax.f32 v18, v22  }
0x3a: {  	v18 =	vmax.f32 v18, v23  }
0x3b: {  	v18 =	vmax.f32 v18, v19  }
0x3c: {  	s18 =	sshra.s32 s18, $0x2;
	v18 =	vmax.f32 v18, v20  }
0x3d: {  	[tilespmem:s18+$0x18800] =	vst v18;
	s18 =	simm.s32 $0x18840  }
0x3e: {  	v18 =	vld [tilespmem:s18+$0xFFFFFFD0]  }
0x3f: {  	s19 =	simm.s32 $0x40;
	v19 =	vld [tilespmem:s18+$0xFFFFFFC0]  }
.LBB2_5:
0x40: {  	p0 =	sne.s32 s19, $0x1840;
	v20 =	vld [tilespmem:s18+$0xFFFFFFE0]  }
0x41: {  	v21 =	vld [tilespmem:s18+$0xFFFFFFF0]  }
0x42: {  	v22 =	vld [tilespmem:s18+$0x0]  }
0x43: {  	v23 =	vld [tilespmem:s18+$0x10]  }
0x44: {  	v18 =	vmax.f32 v19, v18;
	v19 =	vld [tilespmem:s18+$0x20]  }
0x45: {  	v18 =	vmax.f32 v18, v20;
	v20 =	vld [tilespmem:s18+$0x30]  }
0x46: {  	v18 =	vmax.f32 v18, v21  }
0x47: {  	v18 =	vmax.f32 v18, v22  }
0x48: {  	v18 =	vmax.f32 v18, v23  }
.Ltmp1:
0x49: {  	v18 =	vmax.f32 v18, v19;
	(pc) =	sbr.rel @p0 .LBB2_5-.Ltmp1, $4  }
0x4a: {  	s20 =	sshra.s32 s17, $0x2;
	s17 =	smov.u32 s19;
	v18 =	vmax.f32 v18, v20  }
0x4b: {  	s18 =	sadd.s32 $0x80, s18;
	[tilespmem:s20+$0x1B900] =	vst v18  }
0x4c: {  	v18 =	vld [tilespmem:s18+$0xFFFFFFD0]  }
0x4d: {  	s19 =	sadd.s32 $0x40, s19;
	v19 =	vld [tilespmem:s18+$0xFFFFFFC0]  }
0x4e: {  	v20 =	vld [tilespmem:s18+$0xFFFFFFE0]  }
0x4f: {  	v21 =	vld [tilespmem:s18+$0xFFFFFFF0]  }
0x50: {  	v22 =	vld [tilespmem:s18+$0x0]  }
0x51: {  	v23 =	vld [tilespmem:s18+$0x10]  }
0x52: {  	v18 =	vmax.f32 v19, v18;
	v19 =	vld [tilespmem:s18+$0x20]  }
0x53: {  	v18 =	vmax.f32 v18, v20;
	v20 =	vld [tilespmem:s18+$0x30]  }
0x54: {  	v18 =	vmax.f32 v18, v21  }
0x55: {  	v18 =	vmax.f32 v18, v22  }
0x56: {  	v18 =	vmax.f32 v18, v23  }
0x57: {  	v18 =	vmax.f32 v18, v19  }
0x58: {  	s17 =	sshra.s32 s17, $0x2;
	v18 =	vmax.f32 v18, v20  }
0x59: {  	s19 =	simm.s32 $0x1B940;
	[tilespmem:s17+$0x1B900] =	vst v18  }
0x5a: {  	v18 =	vld [tilespmem:s19+$0xFFFFFFD0]  }
0x5b: {  	s20 =	simm.s32 $0x40;
	s18 =	simm.s32 $0x0;
	s17 =	simm.s32 $0x0;
	v19 =	vld [tilespmem:s19+$0xFFFFFFC0]  }
.LBB2_7:
0x5c: {  	p0 =	sne.s32 s20, $0x300;
	v20 =	vld [tilespmem:s19+$0xFFFFFFE0]  }
0x5d: {  	v21 =	vld [tilespmem:s19+$0xFFFFFFF0]  }
0x5e: {  	v22 =	vld [tilespmem:s19+$0x0]  }
0x5f: {  	v23 =	vld [tilespmem:s19+$0x10]  }
0x60: {  	v18 =	vmax.f32 v19, v18;
	v19 =	vld [tilespmem:s19+$0x20]  }
0x61: {  	v18 =	vmax.f32 v18, v20;
	v20 =	vld [tilespmem:s19+$0x30]  }
0x62: {  	v18 =	vmax.f32 v18, v21  }
0x63: {  	v18 =	vmax.f32 v18, v22  }
0x64: {  	v18 =	vmax.f32 v18, v23  }
.Ltmp2:
0x65: {  	v18 =	vmax.f32 v18, v19;
	(pc) =	sbr.rel @p0 .LBB2_7-.Ltmp2, $4  }
0x66: {  	s21 =	sshra.s32 s18, $0x2;
	s18 =	smov.u32 s20;
	v18 =	vmax.f32 v18, v20  }
0x67: {  	s19 =	sadd.s32 $0x80, s19;
	[tilespmem:s21+$0x1BF80] =	vst v18  }
0x68: {  	v18 =	vld [tilespmem:s19+$0xFFFFFFD0]  }
0x69: {  	s20 =	sadd.s32 $0x40, s20;
	v19 =	vld [tilespmem:s19+$0xFFFFFFC0]  }
0x6a: {  	v20 =	vld [tilespmem:s19+$0xFFFFFFE0]  }
0x6b: {  	v21 =	vld [tilespmem:s19+$0xFFFFFFF0]  }
0x6c: {  	v22 =	vld [tilespmem:s19+$0x0]  }
0x6d: {  	v23 =	vld [tilespmem:s19+$0x10]  }
0x6e: {  	v18 =	vmax.f32 v19, v18;
	v19 =	vld [tilespmem:s19+$0x20]  }
0x6f: {  	v18 =	vmax.f32 v18, v20;
	v20 =	vld [tilespmem:s19+$0x30]  }
0x70: {  	v18 =	vmax.f32 v18, v21  }
0x71: {  	v18 =	vmax.f32 v18, v22  }
0x72: {  	v18 =	vmax.f32 v18, v23  }
0x73: {  	v18 =	vmax.f32 v18, v19  }
0x74: {  	s18 =	sshra.s32 s18, $0x2;
	v18 =	vmax.f32 v18, v20  }
0x75: {  	[tilespmem:s18+$0x1BF80] =	vst v18  }
0x76: {  	v19 =	vld [tilespmem:$0x1BF90]  }
0x77: {  	v20 =	vld [tilespmem:$0x1BF80]  }
0x78: {  	v21 =	vld [tilespmem:$0x1BFA0]  }
0x79: {  	v22 =	vld [tilespmem:$0x1BFB0]  }
0x7a: {  	v23 =	vld [tilespmem:$0x1BFC0]  }
0x7b: {  	v24 =	vld [tilespmem:$0x1BFD0]  }
0x7c: {  	v25 =	vld [tilespmem:$0x1BFE0];
	v18 =	vmax.f32 v20, v19  }
0x7d: {  	v26 =	vld [tilespmem:$0x1BFF0];
	v18 =	vmax.f32 v18, v21  }
0x7e: {  	v27 =	vld [tilespmem:$0x1C000];
	v18 =	vmax.f32 v18, v22  }
0x7f: {  	v28 =	vld [tilespmem:$0x1C010];
	v18 =	vmax.f32 v18, v23  }
0x80: {  	v29 =	vld [tilespmem:$0x1C020];
	v18 =	vmax.f32 v18, v24  }
0x81: {  	v30 =	vld [tilespmem:$0x1C030];
	v18 =	vmax.f32 v18, v25  }
0x82: {  	v31 =	vld [tilespmem:$0x1C040];
	v18 =	vmax.f32 v18, v26  }
0x83: {  	v18 =	vmax.f32 v18, v27  }
0x84: {  	v18 =	vmax.f32 v18, v28  }
0x85: {  	v18 =	vmax.f32 v18, v29  }
0x86: {  	v18 =	vmax.f32 v18, v30  }
0x87: {  	v18 =	vmax.f32 v18, v31  }
0x88: {  	v32 =	vperm.xlane v18, v1;
	_ =	sdelay $0x1  }
0x89: {  	v18 =	vmax.f32 v18, v32  }
0x8a: {  	v32 =	vperm.xlane v18, v2;
	_ =	sdelay $0x1  }
0x8b: {  	v18 =	vmax.f32 v18, v32  }
0x8c: {  	v32 =	vperm.xlane v18, v3;
	_ =	sdelay $0x1  }
0x8d: {  	v18 =	vmax.f32 v18, v32  }
0x8e: {  	v32 =	vperm.xlane v18, v4;
	_ =	sdelay $0x1  }
0x8f: {  	v18 =	vmax.f32 v18, v32  }
0x90: {  	v18 =	vbroadcast v18, $0x0;
	_ =	sdelay $0x1  }
0x91: {  	vm0 =	veq.f32 v31, v18  }
0x92: {  	vm1 =	veq.f32 v30, v18;
	v50 =	vnsel vm0, $0x40000000, v6  }
0x93: {  	vm13 =	veq.f32 v29, v18;
	v51 =	vsel vm1, v7, v50  }
0x94: {  	vm14 =	veq.f32 v28, v18;
	v52 =	vsel vm13, v8, v51  }
0x95: {  	vm15 =	veq.f32 v27, v18;
	v53 =	vsel vm14, v9, v52  }
0x96: {  	vm4 =	veq.f32 v26, v18;
	v54 =	vsel vm15, v10, v53  }
0x97: {  	vm5 =	veq.f32 v25, v18;
	v55 =	vsel vm4, v11, v54  }
0x98: {  	vm6 =	veq.f32 v24, v18;
	v56 =	vsel vm5, v12, v55  }
0x99: {  	vm7 =	veq.f32 v23, v18;
	v23 =	vsel vm6, v13, v56  }
0x9a: {  	vm8 =	veq.f32 v22, v18;
	v22 =	vsel vm7, v14, v23  }
0x9b: {  	vm9 =	veq.f32 v21, v18;
	v21 =	vsel vm8, v15, v22  }
0x9c: {  	vm10 =	veq.f32 v19, v18;
	v19 =	vsel vm9, v16, v21  }
0x9d: {  	vm11 =	veq.f32 v20, v18;
	v19 =	vsel vm10, v17, v19  }
0x9e: {  	v19 =	vsel vm11, v5, v19  }
0x9f: {  	v20 =	vperm.xlane v19, v1;
	_ =	sdelay $0x1  }
0xa0: {  	vm0 =	vlt.s32 v19, v20  }
0xa1: {  	v19 =	vsel vm0, v19, v20  }
0xa2: {  	v20 =	vperm.xlane v19, v2;
	_ =	sdelay $0x1  }
0xa3: {  	vm0 =	vlt.s32 v19, v20  }
0xa4: {  	v19 =	vsel vm0, v19, v20  }
0xa5: {  	v20 =	vperm.xlane v19, v3;
	_ =	sdelay $0x1  }
0xa6: {  	vm0 =	vlt.s32 v19, v20  }
0xa7: {  	v19 =	vsel vm0, v19, v20  }
0xa8: {  	v20 =	vperm.xlane v19, v4;
	_ =	sdelay $0x1  }
0xa9: {  	vm0 =	vlt.s32 v19, v20  }
0xaa: {  	v19 =	vsel vm0, v19, v20  }
0xab: {  	(v2sf) =	vpush v19, $0x0;
	_ =	sdelay $0xe  }
0xac: {  	s18 =	spop (v2sf)  }
0xad: {  	s30 =	sshrl.u32 s18, $0x4  }
0xae: {  	s20 =	sshll.u32 s30, $0x9  }
0xaf: {  	s20 =	sshra.s32 s20, $0x2  }
0xb0: {  	v19 =	vld [tilespmem:s20+$0x1B970]  }
0xb1: {  	v20 =	vld [tilespmem:s20+$0x1B960]  }
0xb2: {  	v21 =	vld [tilespmem:s20+$0x1B950]  }
0xb3: {  	v22 =	vld [tilespmem:s20+$0x1B940]  }
0xb4: {  	v23 =	vld [tilespmem:s20+$0x1B930]  }
0xb5: {  	v57 =	vld [tilespmem:s20+$0x1B920];
	vm12 =	veq.f32 v19, v18  }
0xb6: {  	v19 =	vld [tilespmem:s20+$0x1B910];
	vm13 =	veq.f32 v20, v18;
	v20 =	vnsel vm12, $0x40000000, v11  }
0xb7: {  	v58 =	vld [tilespmem:s20+$0x1B900];
	vm14 =	veq.f32 v21, v18;
	v20 =	vsel vm13, v12, v20  }
0xb8: {  	vm15 =	veq.f32 v22, v18;
	v20 =	vsel vm14, v13, v20  }
0xb9: {  	vm4 =	veq.f32 v23, v18;
	v20 =	vsel vm15, v14, v20  }
0xba: {  	vm5 =	veq.f32 v57, v18;
	v20 =	vsel vm4, v15, v20  }
0xbb: {  	vm6 =	veq.f32 v19, v18;
	v19 =	vsel vm5, v16, v20  }
0xbc: {  	vm7 =	veq.f32 v58, v18;
	v19 =	vsel vm6, v17, v19  }
0xbd: {  	v19 =	vsel vm7, v5, v19  }
0xbe: {  	v20 =	vperm.xlane v19, v1;
	_ =	sdelay $0x1  }
0xbf: {  	vm8 =	vlt.s32 v19, v20  }
0xc0: {  	v19 =	vsel vm8, v19, v20  }
0xc1: {  	v20 =	vperm.xlane v19, v2;
	_ =	sdelay $0x1  }
0xc2: {  	vm0 =	vlt.s32 v19, v20  }
0xc3: {  	v19 =	vsel vm0, v19, v20  }
0xc4: {  	v20 =	vperm.xlane v19, v3;
	_ =	sdelay $0x1  }
0xc5: {  	vm0 =	vlt.s32 v19, v20  }
0xc6: {  	v19 =	vsel vm0, v19, v20  }
0xc7: {  	v20 =	vperm.xlane v19, v4;
	_ =	sdelay $0x1  }
0xc8: {  	vm0 =	vlt.s32 v19, v20  }
0xc9: {  	v19 =	vsel vm0, v19, v20  }
0xca: {  	(v2sf) =	vpush v19, $0x0;
	_ =	sdelay $0xe  }
0xcb: {  	s19 =	sshll.u32 s30, $0x7;
	s21 =	spop (v2sf)  }
0xcc: {  	s23 =	sadd.s32 s19, s21  }
0xcd: {  	s19 =	sshrl.u32 s23, $0x4  }
0xce: {  	s22 =	sshll.u32 s19, $0x9  }
0xcf: {  	s22 =	sshra.s32 s22, $0x2  }
0xd0: {  	v19 =	vld [tilespmem:s22+$0x18870]  }
0xd1: {  	v20 =	vld [tilespmem:s22+$0x18860]  }
0xd2: {  	v21 =	vld [tilespmem:s22+$0x18850]  }
0xd3: {  	v22 =	vld [tilespmem:s22+$0x18840]  }
0xd4: {  	v23 =	vld [tilespmem:s22+$0x18830]  }
0xd5: {  	v59 =	vld [tilespmem:s22+$0x18820];
	vm9 =	veq.f32 v19, v18  }
0xd6: {  	v19 =	vld [tilespmem:s22+$0x18810];
	vm10 =	veq.f32 v20, v18;
	v20 =	vnsel vm9, $0x40000000, v11  }
0xd7: {  	v60 =	vld [tilespmem:s22+$0x18800];
	vm11 =	veq.f32 v21, v18;
	v20 =	vsel vm10, v12, v20  }
0xd8: {  	vm12 =	veq.f32 v22, v18;
	v20 =	vsel vm11, v13, v20  }
0xd9: {  	vm13 =	veq.f32 v23, v18;
	v20 =	vsel vm12, v14, v20  }
0xda: {  	vm14 =	veq.f32 v59, v18;
	v20 =	vsel vm13, v15, v20  }
0xdb: {  	vm15 =	veq.f32 v19, v18;
	v19 =	vsel vm14, v16, v20  }
0xdc: {  	vm4 =	veq.f32 v60, v18;
	v19 =	vsel vm15, v17, v19  }
0xdd: {  	v19 =	vsel vm4, v5, v19  }
0xde: {  	v20 =	vperm.xlane v19, v1;
	_ =	sdelay $0x1  }
0xdf: {  	vm5 =	vlt.s32 v19, v20  }
0xe0: {  	v19 =	vsel vm5, v19, v20  }
0xe1: {  	v20 =	vperm.xlane v19, v2;
	_ =	sdelay $0x1  }
0xe2: {  	vm0 =	vlt.s32 v19, v20  }
0xe3: {  	v19 =	vsel vm0, v19, v20  }
0xe4: {  	v20 =	vperm.xlane v19, v3;
	_ =	sdelay $0x1  }
0xe5: {  	vm0 =	vlt.s32 v19, v20  }
0xe6: {  	v19 =	vsel vm0, v19, v20  }
0xe7: {  	v20 =	vperm.xlane v19, v4;
	_ =	sdelay $0x1  }
0xe8: {  	vm0 =	vlt.s32 v19, v20  }
0xe9: {  	v19 =	vsel vm0, v19, v20  }
0xea: {  	(v2sf) =	vpush v19, $0x0;
	_ =	sdelay $0xe  }
0xeb: {  	s24 =	sshll.u32 s19, $0x7;
	s31 =	spop (v2sf)  }
0xec: {  	s25 =	sadd.s32 s24, s31  }
0xed: {  	s24 =	sshrl.u32 s25, $0x4  }
0xee: {  	s26 =	sshll.u32 s24, $0x9  }
0xef: {  	s26 =	sshra.s32 s26, $0x2  }
0xf0: {  	v19 =	vld [tilespmem:s26+$0x70]  }
0xf1: {  	v20 =	vld [tilespmem:s26+$0x60]  }
0xf2: {  	v21 =	vld [tilespmem:s26+$0x50]  }
0xf3: {  	v22 =	vld [tilespmem:s26+$0x40]  }
0xf4: {  	v23 =	vld [tilespmem:s26+$0x30]  }
0xf5: {  	v61 =	vld [tilespmem:s26+$0x20];
	vm6 =	veq.f32 v19, v18  }
0xf6: {  	v19 =	vld [tilespmem:s26+$0x10];
	vm7 =	veq.f32 v20, v18;
	v20 =	vnsel vm6, $0x40000000, v11  }
0xf7: {  	v62 =	vld [tilespmem:s26+$0x0];
	vm8 =	veq.f32 v21, v18;
	v20 =	vsel vm7, v12, v20  }
0xf8: {  	vm9 =	veq.f32 v22, v18;
	v20 =	vsel vm8, v13, v20  }
0xf9: {  	vm10 =	veq.f32 v23, v18;
	v20 =	vsel vm9, v14, v20  }
0xfa: {  	vm11 =	veq.f32 v61, v18;
	v20 =	vsel vm10, v15, v20  }
0xfb: {  	vm12 =	veq.f32 v19, v18;
	v19 =	vsel vm11, v16, v20  }
0xfc: {  	vm13 =	veq.f32 v62, v18;
	v19 =	vsel vm12, v17, v19  }
0xfd: {  	v19 =	vsel vm13, v5, v19  }
0xfe: {  	v20 =	vperm.xlane v19, v1;
	_ =	sdelay $0x1  }
0xff: {  	vm14 =	vlt.s32 v19, v20  }
0x100: {  	v19 =	vsel vm14, v19, v20  }
0x101: {  	v20 =	vperm.xlane v19, v2;
	_ =	sdelay $0x1  }
0x102: {  	vm0 =	vlt.s32 v19, v20  }
0x103: {  	v19 =	vsel vm0, v19, v20  }
0x104: {  	v20 =	vperm.xlane v19, v3;
	_ =	sdelay $0x1  }
0x105: {  	vm0 =	vlt.s32 v19, v20  }
0x106: {  	v19 =	vsel vm0, v19, v20  }
0x107: {  	v20 =	vperm.xlane v19, v4;
	_ =	sdelay $0x1  }
0x108: {  	vm0 =	vlt.s32 v19, v20  }
0x109: {  	v19 =	vsel vm0, v19, v20  }
0x10a: {  	(v2sf) =	vpush v19, $0x0;
	_ =	sdelay $0xe  }
0x10b: {  	s24 =	sshll.u32 s24, $0x7;
	s28 =	spop (v2sf)  }
0x10c: {  	s24 =	sadd.s32 s24, s28  }
0x10d: {  	s30 =	sand.u32 $0x70, s28;
	s29 =	sand.u32 $0xFFFFFF80, s24  }
0x10e: {  	s29 =	sor.u32 s30, s29  }
0x10f: {  	v19 =	vld [tilespmem:s29+$0x0];
	_ =	sdelay $0x1  }
0x110: {  	s28 =	sand.u32 $0xF, s28  }
0x111: {  	v20 =	vmov s28  }
0x112: {  	vm15 =	veq.s32 v20, v5  }
0x113: {  	v19 =	vsel vm15, $0xFF61B1E6, v19  }
0x114: {  	[tilespmem:s29+$0x0] =	vst v19  }
0x115: {  	v19 =	vld [tilespmem:s26+$0x0]  }
0x116: {  	v20 =	vld [tilespmem:s26+$0x10]  }
0x117: {  	v21 =	vld [tilespmem:s26+$0x20]  }
0x118: {  	v22 =	vld [tilespmem:s26+$0x30]  }
0x119: {  	v23 =	vld [tilespmem:s26+$0x40]  }
0x11a: {  	v63 =	vld [tilespmem:s26+$0x50]  }
0x11b: {  	v19 =	vmax.f32 v19, v20;
	v20 =	vld [tilespmem:s26+$0x60]  }
0x11c: {  	v19 =	vmax.f32 v19, v21;
	v21 =	vld [tilespmem:s26+$0x70]  }
0x11d: {  	v19 =	vmax.f32 v19, v22  }
0x11e: {  	v19 =	vmax.f32 v19, v23  }
0x11f: {  	v19 =	vmax.f32 v19, v63  }
0x120: {  	s19 =	sand.u32 $0x70, s31;
	s25 =	sand.u32 $0xFFFFFF80, s25;
	v19 =	vmax.f32 v19, v20  }
0x121: {  	s19 =	sor.u32 s19, s25;
	v19 =	vmax.f32 v19, v21  }
0x122: {  	[tilespmem:s19+$0x18800] =	vst v19  }
0x123: {  	v19 =	vld [tilespmem:s22+$0x18800]  }
0x124: {  	s23 =	sand.u32 $0xFFFFFF80, s23;
	s19 =	simm.s32 $0x1;
	v20 =	vld [tilespmem:s22+$0x18810]  }
.LBB2_9:
0x125: {  	p0 =	sne.s32 s19, $0x6F;
	v21 =	vld [tilespmem:s22+$0x18820];
	s25 =	smov.u32 s19;
	s19 =	sadd.s32 $0x1, s19  }
0x126: {  	v22 =	vld [tilespmem:s22+$0x18830]  }
0x127: {  	v23 =	vld [tilespmem:s22+$0x18840]  }
0x128: {  	v24 =	vld [tilespmem:s22+$0x18850]  }
0x129: {  	v19 =	vmax.f32 v19, v20;
	v20 =	vld [tilespmem:s22+$0x18860]  }
0x12a: {  	v19 =	vmax.f32 v19, v21;
	v21 =	vld [tilespmem:s22+$0x18870]  }
0x12b: {  	v19 =	vmax.f32 v19, v22  }
0x12c: {  	v19 =	vmax.f32 v19, v23  }
0x12d: {  	v19 =	vmax.f32 v19, v24  }
0x12e: {  	s21 =	sand.u32 $0x70, s21;
	v19 =	vmax.f32 v19, v20  }
0x12f: {  	s21 =	sor.u32 s21, s23;
	v19 =	vmax.f32 v19, v21  }
0x130: {  	[tilespmem:s21+$0x1B900] =	vst v19  }
0x131: {  	v19 =	vld [tilespmem:s20+$0x1B900]  }
0x132: {  	v20 =	vld [tilespmem:s20+$0x1B910]  }
0x133: {  	v21 =	vld [tilespmem:s20+$0x1B920]  }
0x134: {  	v22 =	vld [tilespmem:s20+$0x1B930]  }
0x135: {  	v23 =	vld [tilespmem:s20+$0x1B940]  }
0x136: {  	v24 =	vld [tilespmem:s20+$0x1B950]  }
0x137: {  	v19 =	vmax.f32 v19, v20;
	v20 =	vld [tilespmem:s20+$0x1B960]  }
0x138: {  	v19 =	vmax.f32 v19, v21;
	v21 =	vld [tilespmem:s20+$0x1B970]  }
0x139: {  	v19 =	vmax.f32 v19, v22  }
0x13a: {  	v19 =	vmax.f32 v19, v23  }
0x13b: {  	v19 =	vmax.f32 v19, v24  }
0x13c: {  	v19 =	vmax.f32 v19, v20  }
0x13d: {  	s18 =	sand.u32 $0xFFFFFFF0, s18;
	v19 =	vmax.f32 v19, v21  }
0x13e: {  	[tilespmem:s18+$0x1BF80] =	vst v19;
	s18 =	sand.u32 $0x70, s17  }
0x13f: {  	v19 =	vld [tilespmem:s18+$0x1C080]  }
0x140: {  	v20 =	vld [tilespmem:s18+$0x1C100]  }
0x141: {  	s20 =	sand.u32 $0xF, s17;
	s17 =	smov.u32 s25  }
0x142: {  	v21 =	vmov s20  }
0x143: {  	vm0 =	veq.s32 v21, v5  }
0x144: {  	v18 =	vsel vm0, v18, v19  }
0x145: {  	[tilespmem:s18+$0x1C080] =	vst v18;
	v18 =	vsel vm0, s24, v20  }
0x146: {  	[tilespmem:s18+$0x1C100] =	vst v18  }
0x147: {  	v19 =	vld [tilespmem:$0x1BF90]  }
0x148: {  	v20 =	vld [tilespmem:$0x1BF80]  }
0x149: {  	v21 =	vld [tilespmem:$0x1BFA0]  }
0x14a: {  	v22 =	vld [tilespmem:$0x1BFB0]  }
0x14b: {  	v23 =	vld [tilespmem:$0x1BFC0]  }
0x14c: {  	v24 =	vld [tilespmem:$0x1BFD0]  }
0x14d: {  	v18 =	vmax.f32 v20, v19;
	v25 =	vld [tilespmem:$0x1BFE0]  }
0x14e: {  	v18 =	vmax.f32 v18, v21;
	v26 =	vld [tilespmem:$0x1BFF0]  }
0x14f: {  	v18 =	vmax.f32 v18, v22;
	v27 =	vld [tilespmem:$0x1C000]  }
0x150: {  	v18 =	vmax.f32 v18, v23;
	v28 =	vld [tilespmem:$0x1C010]  }
0x151: {  	v18 =	vmax.f32 v18, v24;
	v29 =	vld [tilespmem:$0x1C020]  }
0x152: {  	v18 =	vmax.f32 v18, v25;
	v30 =	vld [tilespmem:$0x1C030]  }
0x153: {  	v18 =	vmax.f32 v18, v26;
	v31 =	vld [tilespmem:$0x1C040]  }
0x154: {  	v18 =	vmax.f32 v18, v27  }
0x155: {  	v18 =	vmax.f32 v18, v28  }
0x156: {  	v18 =	vmax.f32 v18, v29  }
0x157: {  	v18 =	vmax.f32 v18, v30  }
0x158: {  	v18 =	vmax.f32 v18, v31  }
0x159: {  	v32 =	vperm.xlane v18, v1;
	_ =	sdelay $0x1  }
0x15a: {  	v18 =	vmax.f32 v18, v32  }
0x15b: {  	v32 =	vperm.xlane v18, v2;
	_ =	sdelay $0x1  }
0x15c: {  	v18 =	vmax.f32 v18, v32  }
0x15d: {  	v32 =	vperm.xlane v18, v3;
	_ =	sdelay $0x1  }
0x15e: {  	v18 =	vmax.f32 v18, v32  }
0x15f: {  	v32 =	vperm.xlane v18, v4;
	_ =	sdelay $0x1  }
0x160: {  	v18 =	vmax.f32 v18, v32  }
0x161: {  	v18 =	vbroadcast v18, $0x0;
	_ =	sdelay $0x1  }
0x162: {  	vm0 =	veq.f32 v24, v18;
	vm1 =	veq.f32 v25, v18;
	vm2 =	veq.f32 v31, v18  }
0x163: {  	vm3 =	veq.f32 v23, v18;
	vm4 =	veq.f32 v30, v18;
	v23 =	vnsel vm2, $0x40000000, v6  }
0x164: {  	vm5 =	veq.f32 v29, v18;
	vm2 =	veq.f32 v22, v18;
	v22 =	vsel vm4, v7, v23  }
0x165: {  	vm6 =	veq.f32 v28, v18;
	vm4 =	veq.f32 v21, v18;
	v21 =	vsel vm5, v8, v22  }
0x166: {  	vm7 =	veq.f32 v27, v18;
	vm5 =	veq.f32 v19, v18;
	v19 =	vsel vm6, v9, v21  }
0x167: {  	vm8 =	veq.f32 v26, v18;
	vm6 =	veq.f32 v20, v18;
	v19 =	vsel vm7, v10, v19  }
0x168: {  	v19 =	vsel vm8, v11, v19  }
0x169: {  	v19 =	vsel vm1, v12, v19  }
0x16a: {  	v19 =	vsel vm0, v13, v19  }
0x16b: {  	v19 =	vsel vm3, v14, v19  }
0x16c: {  	v19 =	vsel vm2, v15, v19  }
0x16d: {  	v19 =	vsel vm4, v16, v19  }
0x16e: {  	v19 =	vsel vm5, v17, v19  }
0x16f: {  	v19 =	vsel vm6, v5, v19  }
0x170: {  	v20 =	vperm.xlane v19, v1;
	_ =	sdelay $0x1  }
0x171: {  	vm0 =	vlt.s32 v19, v20  }
0x172: {  	v19 =	vsel vm0, v19, v20  }
0x173: {  	v20 =	vperm.xlane v19, v2;
	_ =	sdelay $0x1  }
0x174: {  	vm0 =	vlt.s32 v19, v20  }
0x175: {  	v19 =	vsel vm0, v19, v20  }
0x176: {  	v20 =	vperm.xlane v19, v3;
	_ =	sdelay $0x1  }
0x177: {  	vm0 =	vlt.s32 v19, v20  }
0x178: {  	v19 =	vsel vm0, v19, v20  }
0x179: {  	v20 =	vperm.xlane v19, v4;
	_ =	sdelay $0x1  }
0x17a: {  	vm0 =	vlt.s32 v19, v20  }
0x17b: {  	v19 =	vsel vm0, v19, v20  }
0x17c: {  	(v2sf) =	vpush v19, $0x0;
	_ =	sdelay $0xe  }
0x17d: {  	s18 =	spop (v2sf)  }
0x17e: {  	s21 =	sshrl.u32 s18, $0x4  }
0x17f: {  	s20 =	sshll.u32 s21, $0x9  }
0x180: {  	s20 =	sshra.s32 s20, $0x2  }
0x181: {  	v19 =	vld [tilespmem:s20+$0x1B970]  }
0x182: {  	v20 =	vld [tilespmem:s20+$0x1B960]  }
0x183: {  	v21 =	vld [tilespmem:s20+$0x1B950]  }
0x184: {  	v22 =	vld [tilespmem:s20+$0x1B940]  }
0x185: {  	v23 =	vld [tilespmem:s20+$0x1B930]  }
0x186: {  	v24 =	vld [tilespmem:s20+$0x1B920];
	vm0 =	veq.f32 v19, v18  }
0x187: {  	v19 =	vld [tilespmem:s20+$0x1B910];
	vm1 =	veq.f32 v20, v18;
	v20 =	vnsel vm0, $0x40000000, v11  }
0x188: {  	v25 =	vld [tilespmem:s20+$0x1B900];
	vm0 =	veq.f32 v21, v18;
	v20 =	vsel vm1, v12, v20  }
0x189: {  	vm1 =	veq.f32 v22, v18;
	v20 =	vsel vm0, v13, v20  }
0x18a: {  	vm0 =	veq.f32 v23, v18;
	v20 =	vsel vm1, v14, v20  }
0x18b: {  	vm1 =	veq.f32 v24, v18;
	v20 =	vsel vm0, v15, v20  }
0x18c: {  	vm0 =	veq.f32 v19, v18;
	v19 =	vsel vm1, v16, v20  }
0x18d: {  	vm1 =	veq.f32 v25, v18;
	v19 =	vsel vm0, v17, v19  }
0x18e: {  	v19 =	vsel vm1, v5, v19  }
0x18f: {  	v20 =	vperm.xlane v19, v1;
	_ =	sdelay $0x1  }
0x190: {  	vm0 =	vlt.s32 v19, v20  }
0x191: {  	v19 =	vsel vm0, v19, v20  }
0x192: {  	v20 =	vperm.xlane v19, v2;
	_ =	sdelay $0x1  }
0x193: {  	vm0 =	vlt.s32 v19, v20  }
0x194: {  	v19 =	vsel vm0, v19, v20  }
0x195: {  	v20 =	vperm.xlane v19, v3;
	_ =	sdelay $0x1  }
0x196: {  	vm0 =	vlt.s32 v19, v20  }
0x197: {  	v19 =	vsel vm0, v19, v20  }
0x198: {  	v20 =	vperm.xlane v19, v4;
	_ =	sdelay $0x1  }
0x199: {  	vm0 =	vlt.s32 v19, v20  }
0x19a: {  	v19 =	vsel vm0, v19, v20  }
0x19b: {  	(v2sf) =	vpush v19, $0x0;
	_ =	sdelay $0xe  }
0x19c: {  	s22 =	sshll.u32 s21, $0x7;
	s21 =	spop (v2sf)  }
0x19d: {  	s22 =	sadd.s32 s22, s21  }
0x19e: {  	s24 =	sshrl.u32 s22, $0x4;
	s23 =	sand.u32 $0xFFFFFF80, s22  }
0x19f: {  	s22 =	sshll.u32 s24, $0x9  }
0x1a0: {  	s22 =	sshra.s32 s22, $0x2  }
0x1a1: {  	v19 =	vld [tilespmem:s22+$0x18870]  }
0x1a2: {  	v20 =	vld [tilespmem:s22+$0x18860]  }
0x1a3: {  	v21 =	vld [tilespmem:s22+$0x18850]  }
0x1a4: {  	v22 =	vld [tilespmem:s22+$0x18840]  }
0x1a5: {  	v23 =	vld [tilespmem:s22+$0x18830]  }
0x1a6: {  	v24 =	vld [tilespmem:s22+$0x18820];
	vm0 =	veq.f32 v19, v18  }
0x1a7: {  	v19 =	vld [tilespmem:s22+$0x18810];
	vm1 =	veq.f32 v20, v18;
	v20 =	vnsel vm0, $0x40000000, v11  }
0x1a8: {  	v25 =	vld [tilespmem:s22+$0x18800];
	vm0 =	veq.f32 v21, v18;
	v20 =	vsel vm1, v12, v20  }
0x1a9: {  	vm1 =	veq.f32 v22, v18;
	v20 =	vsel vm0, v13, v20  }
0x1aa: {  	vm0 =	veq.f32 v23, v18;
	v20 =	vsel vm1, v14, v20  }
0x1ab: {  	vm1 =	veq.f32 v24, v18;
	v20 =	vsel vm0, v15, v20  }
0x1ac: {  	vm0 =	veq.f32 v19, v18;
	v19 =	vsel vm1, v16, v20  }
0x1ad: {  	vm1 =	veq.f32 v25, v18;
	v19 =	vsel vm0, v17, v19  }
0x1ae: {  	v19 =	vsel vm1, v5, v19  }
0x1af: {  	v20 =	vperm.xlane v19, v1;
	_ =	sdelay $0x1  }
0x1b0: {  	vm0 =	vlt.s32 v19, v20  }
0x1b1: {  	v19 =	vsel vm0, v19, v20  }
0x1b2: {  	v20 =	vperm.xlane v19, v2;
	_ =	sdelay $0x1  }
0x1b3: {  	vm0 =	vlt.s32 v19, v20  }
0x1b4: {  	v19 =	vsel vm0, v19, v20  }
0x1b5: {  	v20 =	vperm.xlane v19, v3;
	_ =	sdelay $0x1  }
0x1b6: {  	vm0 =	vlt.s32 v19, v20  }
0x1b7: {  	v19 =	vsel vm0, v19, v20  }
0x1b8: {  	v20 =	vperm.xlane v19, v4;
	_ =	sdelay $0x1  }
0x1b9: {  	vm0 =	vlt.s32 v19, v20  }
0x1ba: {  	v19 =	vsel vm0, v19, v20  }
0x1bb: {  	(v2sf) =	vpush v19, $0x0;
	_ =	sdelay $0xe  }
0x1bc: {  	s24 =	sshll.u32 s24, $0x7;
	s25 =	spop (v2sf)  }
0x1bd: {  	s26 =	sadd.s32 s24, s25  }
0x1be: {  	s24 =	sshrl.u32 s26, $0x4;
	s26 =	sand.u32 $0xFFFFFF80, s26  }
0x1bf: {  	s28 =	sshll.u32 s24, $0x9  }
0x1c0: {  	s28 =	sshra.s32 s28, $0x2  }
0x1c1: {  	v19 =	vld [tilespmem:s28+$0x70]  }
0x1c2: {  	v20 =	vld [tilespmem:s28+$0x60]  }
0x1c3: {  	v21 =	vld [tilespmem:s28+$0x50]  }
0x1c4: {  	v22 =	vld [tilespmem:s28+$0x40]  }
0x1c5: {  	v23 =	vld [tilespmem:s28+$0x30]  }
0x1c6: {  	v24 =	vld [tilespmem:s28+$0x20];
	vm0 =	veq.f32 v19, v18  }
0x1c7: {  	v19 =	vld [tilespmem:s28+$0x10];
	vm1 =	veq.f32 v20, v18;
	v20 =	vnsel vm0, $0x40000000, v11  }
0x1c8: {  	v25 =	vld [tilespmem:s28+$0x0];
	vm0 =	veq.f32 v21, v18;
	v20 =	vsel vm1, v12, v20  }
0x1c9: {  	vm1 =	veq.f32 v22, v18;
	v20 =	vsel vm0, v13, v20  }
0x1ca: {  	vm0 =	veq.f32 v23, v18;
	v20 =	vsel vm1, v14, v20  }
0x1cb: {  	vm1 =	veq.f32 v24, v18;
	v20 =	vsel vm0, v15, v20  }
0x1cc: {  	vm0 =	veq.f32 v19, v18;
	v19 =	vsel vm1, v16, v20  }
0x1cd: {  	vm1 =	veq.f32 v25, v18;
	v19 =	vsel vm0, v17, v19  }
0x1ce: {  	v19 =	vsel vm1, v5, v19  }
0x1cf: {  	v20 =	vperm.xlane v19, v1;
	_ =	sdelay $0x1  }
0x1d0: {  	vm0 =	vlt.s32 v19, v20  }
0x1d1: {  	v19 =	vsel vm0, v19, v20  }
0x1d2: {  	v20 =	vperm.xlane v19, v2;
	_ =	sdelay $0x1  }
0x1d3: {  	vm0 =	vlt.s32 v19, v20  }
0x1d4: {  	v19 =	vsel vm0, v19, v20  }
0x1d5: {  	v20 =	vperm.xlane v19, v3;
	_ =	sdelay $0x1  }
0x1d6: {  	vm0 =	vlt.s32 v19, v20  }
0x1d7: {  	v19 =	vsel vm0, v19, v20  }
0x1d8: {  	v20 =	vperm.xlane v19, v4;
	_ =	sdelay $0x1  }
0x1d9: {  	vm0 =	vlt.s32 v19, v20  }
0x1da: {  	v19 =	vsel vm0, v19, v20  }
0x1db: {  	(v2sf) =	vpush v19, $0x0;
	_ =	sdelay $0xe  }
0x1dc: {  	s24 =	sshll.u32 s24, $0x7;
	s29 =	spop (v2sf)  }
0x1dd: {  	s24 =	sadd.s32 s24, s29;
	s30 =	sand.u32 $0xF, s29  }
0x1de: {  	s29 =	sand.u32 $0x70, s29;
	s31 =	sand.u32 $0xFFFFFF80, s24;
	v19 =	vmov s30  }
0x1df: {  	s29 =	sor.u32 s29, s31  }
0x1e0: {  	v20 =	vld [tilespmem:s29+$0x0];
	_ =	sdelay $0x3  }
0x1e1: {  	vm0 =	veq.s32 v19, v5  }
0x1e2: {  	v19 =	vsel vm0, $0xFF61B1E6, v20  }
0x1e3: {  	[tilespmem:s29+$0x0] =	vst v19  }
0x1e4: {  	v19 =	vld [tilespmem:s28+$0x0]  }
0x1e5: {  	v20 =	vld [tilespmem:s28+$0x10]  }
0x1e6: {  	v21 =	vld [tilespmem:s28+$0x20]  }
0x1e7: {  	v22 =	vld [tilespmem:s28+$0x30]  }
0x1e8: {  	v23 =	vld [tilespmem:s28+$0x40]  }
0x1e9: {  	v24 =	vld [tilespmem:s28+$0x50]  }
0x1ea: {  	v19 =	vmax.f32 v19, v20;
	v20 =	vld [tilespmem:s28+$0x60]  }
0x1eb: {  	v19 =	vmax.f32 v19, v21;
	v21 =	vld [tilespmem:s28+$0x70]  }
0x1ec: {  	v19 =	vmax.f32 v19, v22  }
0x1ed: {  	v19 =	vmax.f32 v19, v23  }
0x1ee: {  	v19 =	vmax.f32 v19, v24  }
.Ltmp3:
0x1ef: {  	s25 =	sand.u32 $0x70, s25;
	v19 =	vmax.f32 v19, v20;
	(pc) =	sbr.rel @p0 .LBB2_9-.Ltmp3, $4  }
0x1f0: {  	s25 =	sor.u32 s25, s26;
	v19 =	vmax.f32 v19, v21  }
0x1f1: {  	[tilespmem:s25+$0x18800] =	vst v19  }
0x1f2: {  	v19 =	vld [tilespmem:s22+$0x18800]  }
0x1f3: {  	v20 =	vld [tilespmem:s22+$0x18810]  }
0x1f4: {  	v21 =	vld [tilespmem:s22+$0x18820]  }
0x1f5: {  	v22 =	vld [tilespmem:s22+$0x18830]  }
0x1f6: {  	v23 =	vld [tilespmem:s22+$0x18840]  }
0x1f7: {  	v24 =	vld [tilespmem:s22+$0x18850]  }
0x1f8: {  	v53 =	vld [tilespmem:s22+$0x18860];
	v19 =	vmax.f32 v19, v20  }
0x1f9: {  	v54 =	vld [tilespmem:s22+$0x18870];
	v19 =	vmax.f32 v19, v21  }
0x1fa: {  	v19 =	vmax.f32 v19, v22  }
0x1fb: {  	v19 =	vmax.f32 v19, v23  }
0x1fc: {  	v19 =	vmax.f32 v19, v24  }
0x1fd: {  	s19 =	sand.u32 $0x70, s21;
	v19 =	vmax.f32 v19, v53  }
0x1fe: {  	s19 =	sor.u32 s19, s23;
	v19 =	vmax.f32 v19, v54  }
0x1ff: {  	[tilespmem:s19+$0x1B900] =	vst v19  }
0x200: {  	v19 =	vld [tilespmem:s20+$0x1B900]  }
0x201: {  	v55 =	vld [tilespmem:s20+$0x1B910]  }
0x202: {  	v56 =	vld [tilespmem:s20+$0x1B920]  }
0x203: {  	v57 =	vld [tilespmem:s20+$0x1B930]  }
0x204: {  	v58 =	vld [tilespmem:s20+$0x1B940]  }
0x205: {  	v59 =	vld [tilespmem:s20+$0x1B950]  }
0x206: {  	v60 =	vld [tilespmem:s20+$0x1B960];
	v19 =	vmax.f32 v19, v55  }
0x207: {  	v61 =	vld [tilespmem:s20+$0x1B970];
	v19 =	vmax.f32 v19, v56  }
0x208: {  	v19 =	vmax.f32 v19, v57  }
0x209: {  	v19 =	vmax.f32 v19, v58  }
0x20a: {  	v19 =	vmax.f32 v19, v59  }
0x20b: {  	v19 =	vmax.f32 v19, v60  }
0x20c: {  	s18 =	sand.u32 $0xFFFFFFF0, s18;
	v19 =	vmax.f32 v19, v61  }
0x20d: {  	s29 =	sand.u32 $0x70, s17;
	[tilespmem:s18+$0x1BF80] =	vst v19  }
0x20e: {  	v19 =	vld [tilespmem:s29+$0x1C080]  }
0x20f: {  	v62 =	vld [tilespmem:s29+$0x1C100]  }
0x210: {  	s30 =	sand.u32 $0xF, s17  }
0x211: {  	v63 =	vmov s30  }
0x212: {  	s15 =	sshll.u32 s15, $0xA;
	vm0 =	veq.s32 v63, v5  }
0x213: {  	s15 =	sor.u32 s16, s15;
	v18 =	vsel vm0, v18, v19  }
0x214: {  	s15 =	sshrl.u32 s15, $0x3;
	[tilespmem:s29+$0x1C080] =	vst v18;
	v18 =	vsel vm0, s24, v62  }
0x215: {  	s31 =	sadd.s32 s4, s15;
	[tilespmem:s29+$0x1C100] =	vst v18  }
0x216: {  	[hbm4b:s31+s1] =	stream.linear.scatter [tilespmem:s11], [sflag:$0x1], $0x80, $0x38;
	[tilespmem:$0x1C180] =	vst v63  }
0x217: {  	s14 =	sadd.s32 $0x1, s14;
	_ =	swait.ge [sflag:s10], $0x80  }
0x218: {  	p0 =	sne.s32 s14, $0x20;
	[sflag:s10] =	ssyncset.done $0x0  }
.Ltmp4:
0x219: {  	s15 =	sadd.s32 s5, s15;
	[sflag:s10] =	ssyncadd.s32 $0xFFFFFF80;
	(pc) =	sbr.rel @p0 .LBB2_2-.Ltmp4, $4  }
0x21a: {  	[hbm4b:s15+s1] =	stream.linear.scatter [tilespmem:s12], [sflag:$0x1], $0x80, $0x38;
	[tilespmem:$0x1C180] =	vst v63  }
0x21b: {  	_ =	swait.ge [sflag:s10], $0x80  }
0x21c: {  	[sflag:s10] =	ssyncset.done $0x0  }
0x21d: {  	[sflag:s10] =	ssyncadd.s32 $0xFFFFFF80  }
0x21e: {  	s13 =	sadd.s32 $0x1, s13  }
0x21f: {  	p0 =	sne.s32 s13, s7  }
.Ltmp5:
0x220: {  	_ = 	snop;
	(pc) =	sbr.rel @p0 .LBB2_1-.Ltmp5, $1  }
0x221: {  	_ =	sdelay $0x3  }
0x222: {  	_ =	sfence.sel $0x180000  }
0x223: {  	[bflag:$0x0] =	sbarrier.arrive $0xFFFF  }
0x224: {  	p0 =	sne.s32 s3, $0x0;
	_ =	strace $0x90000047  }
0x225: {  	s0 =	sadd.s32 @!p0 $0x100000, s0;
	[bflag:$0x2] =	sbarrier.arrive $0xFFFF  }
0x226: {  	[sflag:s0] =	ssyncadd.tile.s32 @!p0 $0x1;
	_ =	shalt  }
.Lfunc_end2:
_tile_overlayer_lowered:
.L_overlay_start_2:
0x227: {  	(tag) =	ssettag $0x2  }
0x228: {  	s0 =	rddreg [dreg:$0x0];
	s2 =	stileid.u32  }
0x229: {  	s1 =	rddreg [dreg:$0x1];
	p0 =	sne.s32 s2, $0x0  }
0x22a: {  	s3 =	rddreg [dreg:$0x2];
	[bflag:$0x3] =	sbarrier.arrive $0xFFFF;
	s2 =	simm.s32 @!p0 $0x1C01  }
0x22b: {  	[timem:s3], [sflag:s2] =	dma.local @!p0 [hbm:s0], s1  }
0x22c: {  	s0 =	simm.s32 @!p0 $0x1  }
0x22d: {  	_ =	swait.ge @!p0 [sflag:s0], s1  }
0x22e: {  	s1 =	ssub.s32 @!p0 $0x0, s1;
	[sflag:s0] =	ssyncset.done @!p0 $0x0  }
0x22f: {  	[sflag:s0] =	ssyncadd.s32 @!p0 s1  }
0x230: {  	[bflag:$0x3] =	sbarrier.arrive $0xFFFF  }
0x231: {  	_ =	shalt  }

</sc_bundles>
